<compile_context>
chip_gen: v7x
topology: tpu7x:2x2x1
jax: 0.10.2.dev20260603
libtpu: 0.0.44.dev20260713+nightly
codegen_flags: <defaults>
</compile_context>

<pallas_src>
import functools

import jax
import jax.numpy as jnp
from jax import lax
from jax.experimental import pallas as pl
from jax.experimental.pallas import tpu as pltpu
from jax.experimental.pallas import tpu_sc as plsc

N_ROWS = 10000
E_ROWS = 320000
D_COLS = 128

NTILES = 32
TROWS = E_ROWS // NTILES
BLK = 25
NBLK = TROWS // BLK
NSLOT = 4
ACC = N_ROWS * D_COLS
DRAIN = ACC // 16
ZCH = BLK * D_COLS


def _sc_partials(index, src):
    mesh = plsc.VectorSubcoreMesh(core_axis_name="c", subcore_axis_name="s")

    buf_i = [pltpu.VMEM((ZCH,), jnp.int32) for _ in range(NSLOT)]
    buf_s = [pltpu.VMEM((ZCH,), jnp.float32) for _ in range(NSLOT)]
    buf_z = [pltpu.VMEM((ZCH,), jnp.float32)]

    @functools.partial(
        pl.kernel,
        out_type=jax.ShapeDtypeStruct((2, ACC), jnp.float32),
        mesh=mesh,
        compiler_params=pltpu.CompilerParams(
            use_tc_tiling_on_sc=False, needs_layout_passes=False),
        scratch_types=(
            [pltpu.VMEM_SHARED((ACC,), jnp.float32)]
            + buf_i + buf_s + buf_z
            + [pltpu.SemaphoreType.DMA] * (2 * NSLOT + NSLOT + 1)
        ),
    )
    def k(index_hbm, src_hbm, out_hbm, acc, *bufs_and_sems):
        ib = bufs_and_sems[0:NSLOT]
        sb = bufs_and_sems[NSLOT:2 * NSLOT]
        zb = bufs_and_sems[2 * NSLOT]
        sems = bufs_and_sems[2 * NSLOT + 1:]
        isem = sems[0:NSLOT]
        ssem = sems[NSLOT:2 * NSLOT]
        csem = sems[2 * NSLOT:3 * NSLOT]
        osem = sems[3 * NSLOT]

        core = lax.axis_index("c")
        sub = lax.axis_index("s")
        wid = core * 16 + sub
        elt0 = wid * (TROWS * D_COLS)

        iota = lax.iota(jnp.int32, 16)
        colv = [iota + (16 * j) for j in range(8)]

        zvec = jnp.zeros((16,), jnp.float32)

        @pl.loop(0, ZCH, step=16, unroll=8)
        def _(i):
            zb[pl.ds(i, 16)] = zvec

        z0 = sub * DRAIN
        nfull = DRAIN // ZCH
        for t in range(nfull):
            pltpu.make_async_copy(
                zb, acc.at[pl.ds(z0 + t * ZCH, ZCH)], osem).start()
        for t in range(nfull):
            pltpu.make_async_copy(
                zb, acc.at[pl.ds(z0 + t * ZCH, ZCH)], osem).wait()
        rem = DRAIN - nfull * ZCH
        if rem:
            pltpu.make_async_copy(
                zb.at[pl.ds(0, rem)],
                acc.at[pl.ds(z0 + nfull * ZCH, rem)], osem).start()
            pltpu.make_async_copy(
                zb.at[pl.ds(0, rem)],
                acc.at[pl.ds(z0 + nfull * ZCH, rem)], osem).wait()

        plsc.subcore_barrier()

        def dma_in(kb, s):
            e0 = elt0 + kb * ZCH
            di = pltpu.make_async_copy(
                index_hbm.at[pl.ds(e0, ZCH)], ib[s], isem[s])
            ds_ = pltpu.make_async_copy(
                src_hbm.at[pl.ds(e0, ZCH)], sb[s], ssem[s])
            return di, ds_

        def stream_start(s):
            pltpu.async_copy(sb[s], acc.at[ib[s]], csem[s], add=True)

        def stream_wait(s):
            pltpu.make_async_copy(sb[s], acc.at[ib[s]], csem[s]).wait()

        def issue(kb, s):
            di, ds_ = dma_in(kb, s)
            di.start()
            ds_.start()

        def wait_in(kb, s):
            di, ds_ = dma_in(kb, s)
            di.wait()
            ds_.wait()

        def compute_addr(s):
            @pl.loop(0, BLK)
            def _(r):
                base = r * D_COLS
                for j in range(8):
                    iv = ib[s][pl.ds(base + 16 * j, 16)]
                    av = lax.bitwise_or(lax.shift_left(iv, 7), colv[j])
                    ib[s][pl.ds(base + 16 * j, 16)] = av

        issue(0, 0)
        issue(1, 1)

        @pl.loop(0, NBLK, step=NSLOT)
        def _(kb):
            for s in range(NSLOT):
                blk = kb + s
                wait_in(blk, s)
                compute_addr(s)
                stream_start(s)
                fs = (s + 2) % NSLOT

                @pl.when(blk >= 2)
                def _():
                    stream_wait(fs)

                @pl.when(blk + 2 < NBLK)
                def _():
                    issue(blk + 2, fs)

        stream_wait((NBLK - 2) % NSLOT)
        stream_wait((NBLK - 1) % NSLOT)

        plsc.subcore_barrier()

        pltpu.make_async_copy(
            acc.at[pl.ds(sub * DRAIN, DRAIN)],
            out_hbm.at[core, pl.ds(sub * DRAIN, DRAIN)], osem).start()
        pltpu.make_async_copy(
            acc.at[pl.ds(sub * DRAIN, DRAIN)],
            out_hbm.at[core, pl.ds(sub * DRAIN, DRAIN)], osem).wait()

    return k(index, src)


def _combine(x, p):
    def body(x_ref, p_ref, o_ref):
        o_ref[...] = x_ref[...] + p_ref[0] + p_ref[1]

    return pl.pallas_call(
        body,
        out_shape=jax.ShapeDtypeStruct((N_ROWS, D_COLS), jnp.float32),
        grid=(10,),
        in_specs=[
            pl.BlockSpec((N_ROWS // 10, D_COLS), lambda i: (i, 0)),
            pl.BlockSpec((2, N_ROWS // 10, D_COLS), lambda i: (0, i, 0)),
        ],
        out_specs=pl.BlockSpec((N_ROWS // 10, D_COLS), lambda i: (i, 0)),
    )(x, p)


def kernel(x, dim, index, src):
    del dim
    p = _sc_partials(index.reshape(-1), src.reshape(-1))
    return _combine(x, p.reshape(2, N_ROWS, D_COLS))

# --- scband reference (transcript-rebuilt; emitter-appended) ---
"""Pipeline reference for scband-torch-ops-aten-scatter-add-dimname-module-53987738910990 (READ-ONLY COPY).

The authoritative reference and input builder live on the scoring server;
editing this copy changes nothing except your own understanding.
"""

import jax, jax.numpy as jnp
import numpy as np

N = 10000
E = 320000
D = 128

def setup_inputs(seed: int = 0) -> dict:
    key = jax.random.key(seed)
    k1, k2, k3 = jax.random.split(key, 3)
    x = jax.random.normal(k1, (N, D), dtype=jnp.float32)
    src = jax.random.normal(k2, (E, D), dtype=jnp.float32)
    index = jax.random.randint(k3, (E, D), 0, N, dtype=jnp.int32)
    dim = 0
    return {"x": x, "dim": dim, "index": index, "src": src}

def reference(x, dim, index, src):
    # torch.ops.aten.scatter_add.dimname(x, dim, index, src) with dim==0:
    # out[index[i, j], j] = x[index[i, j], j] + sum of src[i, j] over matching i
    d = src.shape[1]
    cols = jnp.broadcast_to(jnp.arange(d, dtype=index.dtype), index.shape)
    out = x.at[index, cols].add(src)
    return out

if __name__ == "__main__":
    import jax
    _d = setup_inputs()
    print(jax.jit(kernel)(*tuple(_d.values())))

</pallas_src>

<mosaic_0001>
#map = affine_map<(d0, d1) -> (0)>
#map1 = affine_map<(d0, d1) -> (0, 0)>
module attributes {stable_mosaic.version = 14 : i64} {
  func.func @k(%arg0: i32, %arg1: i32, %arg2: memref<40960000xi32, #tpu.memory_space<hbm>>, %arg3: memref<40960000xf32, #tpu.memory_space<hbm>>, %arg4: memref<2x1280000xf32, #tpu.memory_space<hbm>>, %arg5: memref<1280000xf32, #tpu.memory_space<vmem_shared>>, %arg6: memref<3200xi32, #tpu.memory_space<vmem>>, %arg7: memref<3200xi32, #tpu.memory_space<vmem>>, %arg8: memref<3200xi32, #tpu.memory_space<vmem>>, %arg9: memref<3200xi32, #tpu.memory_space<vmem>>, %arg10: memref<3200xf32, #tpu.memory_space<vmem>>, %arg11: memref<3200xf32, #tpu.memory_space<vmem>>, %arg12: memref<3200xf32, #tpu.memory_space<vmem>>, %arg13: memref<3200xf32, #tpu.memory_space<vmem>>, %arg14: memref<3200xf32, #tpu.memory_space<vmem>>, %arg15: memref<!tpu.dma_semaphore, #tpu.memory_space<semaphore_mem>>, %arg16: memref<!tpu.dma_semaphore, #tpu.memory_space<semaphore_mem>>, %arg17: memref<!tpu.dma_semaphore, #tpu.memory_space<semaphore_mem>>, %arg18: memref<!tpu.dma_semaphore, #tpu.memory_space<semaphore_mem>>, %arg19: memref<!tpu.dma_semaphore, #tpu.memory_space<semaphore_mem>>, %arg20: memref<!tpu.dma_semaphore, #tpu.memory_space<semaphore_mem>>, %arg21: memref<!tpu.dma_semaphore, #tpu.memory_space<semaphore_mem>>, %arg22: memref<!tpu.dma_semaphore, #tpu.memory_space<semaphore_mem>>, %arg23: memref<!tpu.dma_semaphore, #tpu.memory_space<semaphore_mem>>, %arg24: memref<!tpu.dma_semaphore, #tpu.memory_space<semaphore_mem>>, %arg25: memref<!tpu.dma_semaphore, #tpu.memory_space<semaphore_mem>>, %arg26: memref<!tpu.dma_semaphore, #tpu.memory_space<semaphore_mem>>, %arg27: memref<!tpu.dma_semaphore, #tpu.memory_space<semaphore_mem>>) attributes {dimension_semantics = [#tpu.dimension_semantics<core_parallel>, #tpu.dimension_semantics<subcore_parallel>], iteration_bounds = array<i64: 2, 16>, scalar_prefetch = 0 : i64, scratch_operands = 23 : i64, tpu.core_type = #tpu.core_type<sc_vector_subcore>, window_params = [{transform_indices = #map}, {transform_indices = #map}, {transform_indices = #map1}]} {
    %mul3A = arith.constant 16 : i32
    %mul3A_0 = arith.muli %arg0, %mul3A : i32
    %add3A = arith.addi %mul3A_0, %arg1 : i32
    %mul3A_1 = arith.constant 1280000 : i32
    %mul3A_2 = arith.muli %add3A, %mul3A_1 : i32
    %iota3A = tpu.iota {dimensions = array<i32: 0>} : vector<16xi32>
    %add3A_3 = arith.constant 0 : i32
    %add3A_4 = vector.broadcast %add3A_3 : i32 to vector<16xi32>
    %add3A_5 = arith.addi %iota3A, %add3A_4 : vector<16xi32>
    %add3A_6 = arith.constant 16 : i32
    %add3A_7 = vector.broadcast %add3A_6 : i32 to vector<16xi32>
    %add3A_8 = arith.addi %iota3A, %add3A_7 : vector<16xi32>
    %add3A_9 = arith.constant 32 : i32
    %add3A_10 = vector.broadcast %add3A_9 : i32 to vector<16xi32>
    %add3A_11 = arith.addi %iota3A, %add3A_10 : vector<16xi32>
    %add3A_12 = arith.constant 48 : i32
    %add3A_13 = vector.broadcast %add3A_12 : i32 to vector<16xi32>
    %add3A_14 = arith.addi %iota3A, %add3A_13 : vector<16xi32>
    %add3A_15 = arith.constant 64 : i32
    %add3A_16 = vector.broadcast %add3A_15 : i32 to vector<16xi32>
    %add3A_17 = arith.addi %iota3A, %add3A_16 : vector<16xi32>
    %add3A_18 = arith.constant 80 : i32
    %add3A_19 = vector.broadcast %add3A_18 : i32 to vector<16xi32>
    %add3A_20 = arith.addi %iota3A, %add3A_19 : vector<16xi32>
    %add3A_21 = arith.constant 96 : i32
    %add3A_22 = vector.broadcast %add3A_21 : i32 to vector<16xi32>
    %add3A_23 = arith.addi %iota3A, %add3A_22 : vector<16xi32>
    %add3A_24 = arith.constant 112 : i32
    %add3A_25 = vector.broadcast %add3A_24 : i32 to vector<16xi32>
    %add3A_26 = arith.addi %iota3A, %add3A_25 : vector<16xi32>
    %broadcast_in_dim3A = arith.constant 0.000000e+00 : f32
    %broadcast_in_dim3A_27 = vector.broadcast %broadcast_in_dim3A : f32 to vector<16xf32>
    %scan3A = arith.constant 0 : i32
    %scan3A_28 = arith.constant 200 : i32
    %scan3A_29 = arith.addi %scan3A, %scan3A_28 : i32
    %scan3A_30 = arith.constant 8 : i32
    scf.for %scan3A_268 = %scan3A to %scan3A_29 step %scan3A_30  : i32 {
      %mul3A_269 = arith.constant 16 : i32
      %mul3A_270 = arith.muli %scan3A_268, %mul3A_269 : i32
      %add3A_271 = arith.constant 0 : i32
      %add3A_272 = arith.addi %add3A_271, %mul3A_270 : i32
      %swap3A = arith.index_cast %add3A_272 : i32 to index
      %swap3A_273 = tpu.vector_load %arg14[%swap3A] {strides = array<i32>} : memref<3200xf32, #tpu.memory_space<vmem>>, vector<16xf32>,
      tpu.vector_store %arg14[%swap3A], %broadcast_in_dim3A_27 {strides = array<i32>} : memref<3200xf32, #tpu.memory_space<vmem>>, vector<16xf32>,
      %scan3A_274 = arith.constant 1 : i32
      %scan3A_275 = arith.addi %scan3A_268, %scan3A_274 : i32
      %mul3A_276 = arith.constant 16 : i32
      %mul3A_277 = arith.muli %scan3A_275, %mul3A_276 : i32
      %add3A_278 = arith.constant 0 : i32
      %add3A_279 = arith.addi %add3A_278, %mul3A_277 : i32
      %swap3A_280 = arith.index_cast %add3A_279 : i32 to index
      %swap3A_281 = tpu.vector_load %arg14[%swap3A_280] {strides = array<i32>} : memref<3200xf32, #tpu.memory_space<vmem>>, vector<16xf32>,
      tpu.vector_store %arg14[%swap3A_280], %broadcast_in_dim3A_27 {strides = array<i32>} : memref<3200xf32, #tpu.memory_space<vmem>>, vector<16xf32>,
      %scan3A_282 = arith.constant 2 : i32
      %scan3A_283 = arith.addi %scan3A_268, %scan3A_282 : i32
      %mul3A_284 = arith.constant 16 : i32
      %mul3A_285 = arith.muli %scan3A_283, %mul3A_284 : i32
      %add3A_286 = arith.constant 0 : i32
      %add3A_287 = arith.addi %add3A_286, %mul3A_285 : i32
      %swap3A_288 = arith.index_cast %add3A_287 : i32 to index
      %swap3A_289 = tpu.vector_load %arg14[%swap3A_288] {strides = array<i32>} : memref<3200xf32, #tpu.memory_space<vmem>>, vector<16xf32>,
      tpu.vector_store %arg14[%swap3A_288], %broadcast_in_dim3A_27 {strides = array<i32>} : memref<3200xf32, #tpu.memory_space<vmem>>, vector<16xf32>,
      %scan3A_290 = arith.constant 3 : i32
      %scan3A_291 = arith.addi %scan3A_268, %scan3A_290 : i32
      %mul3A_292 = arith.constant 16 : i32
      %mul3A_293 = arith.muli %scan3A_291, %mul3A_292 : i32
      %add3A_294 = arith.constant 0 : i32
      %add3A_295 = arith.addi %add3A_294, %mul3A_293 : i32
      %swap3A_296 = arith.index_cast %add3A_295 : i32 to index
      %swap3A_297 = tpu.vector_load %arg14[%swap3A_296] {strides = array<i32>} : memref<3200xf32, #tpu.memory_space<vmem>>, vector<16xf32>,
      tpu.vector_store %arg14[%swap3A_296], %broadcast_in_dim3A_27 {strides = array<i32>} : memref<3200xf32, #tpu.memory_space<vmem>>, vector<16xf32>,
      %scan3A_298 = arith.constant 4 : i32
      %scan3A_299 = arith.addi %scan3A_268, %scan3A_298 : i32
      %mul3A_300 = arith.constant 16 : i32
      %mul3A_301 = arith.muli %scan3A_299, %mul3A_300 : i32
      %add3A_302 = arith.constant 0 : i32
      %add3A_303 = arith.addi %add3A_302, %mul3A_301 : i32
      %swap3A_304 = arith.index_cast %add3A_303 : i32 to index
      %swap3A_305 = tpu.vector_load %arg14[%swap3A_304] {strides = array<i32>} : memref<3200xf32, #tpu.memory_space<vmem>>, vector<16xf32>,
      tpu.vector_store %arg14[%swap3A_304], %broadcast_in_dim3A_27 {strides = array<i32>} : memref<3200xf32, #tpu.memory_space<vmem>>, vector<16xf32>,
      %scan3A_306 = arith.constant 5 : i32
      %scan3A_307 = arith.addi %scan3A_268, %scan3A_306 : i32
      %mul3A_308 = arith.constant 16 : i32
      %mul3A_309 = arith.muli %scan3A_307, %mul3A_308 : i32
      %add3A_310 = arith.constant 0 : i32
      %add3A_311 = arith.addi %add3A_310, %mul3A_309 : i32
      %swap3A_312 = arith.index_cast %add3A_311 : i32 to index
      %swap3A_313 = tpu.vector_load %arg14[%swap3A_312] {strides = array<i32>} : memref<3200xf32, #tpu.memory_space<vmem>>, vector<16xf32>,
      tpu.vector_store %arg14[%swap3A_312], %broadcast_in_dim3A_27 {strides = array<i32>} : memref<3200xf32, #tpu.memory_space<vmem>>, vector<16xf32>,
      %scan3A_314 = arith.constant 6 : i32
      %scan3A_315 = arith.addi %scan3A_268, %scan3A_314 : i32
      %mul3A_316 = arith.constant 16 : i32
      %mul3A_317 = arith.muli %scan3A_315, %mul3A_316 : i32
      %add3A_318 = arith.constant 0 : i32
      %add3A_319 = arith.addi %add3A_318, %mul3A_317 : i32
      %swap3A_320 = arith.index_cast %add3A_319 : i32 to index
      %swap3A_321 = tpu.vector_load %arg14[%swap3A_320] {strides = array<i32>} : memref<3200xf32, #tpu.memory_space<vmem>>, vector<16xf32>,
      tpu.vector_store %arg14[%swap3A_320], %broadcast_in_dim3A_27 {strides = array<i32>} : memref<3200xf32, #tpu.memory_space<vmem>>, vector<16xf32>,
      %scan3A_322 = arith.constant 7 : i32
      %scan3A_323 = arith.addi %scan3A_268, %scan3A_322 : i32
      %mul3A_324 = arith.constant 16 : i32
      %mul3A_325 = arith.muli %scan3A_323, %mul3A_324 : i32
      %add3A_326 = arith.constant 0 : i32
      %add3A_327 = arith.addi %add3A_326, %mul3A_325 : i32
      %swap3A_328 = arith.index_cast %add3A_327 : i32 to index
      %swap3A_329 = tpu.vector_load %arg14[%swap3A_328] {strides = array<i32>} : memref<3200xf32, #tpu.memory_space<vmem>>, vector<16xf32>,
      tpu.vector_store %arg14[%swap3A_328], %broadcast_in_dim3A_27 {strides = array<i32>} : memref<3200xf32, #tpu.memory_space<vmem>>, vector<16xf32>,
    }
    %scan3A_31 = arith.constant 200 : i32
    %mul3A_32 = arith.constant 80000 : i32
    %mul3A_33 = arith.muli %arg1, %mul3A_32 : i32
    %add3A_34 = arith.constant 0 : i32
    %add3A_35 = arith.addi %mul3A_33, %add3A_34 : i32
    %dma_start3A = tpu.memref_slice %arg5[%add3A_35] : memref<1280000xf32, #tpu.memory_space<vmem_shared>> -> memref<3200xf32, #tpu.memory_space<vmem_shared>>
    %dma_start3A_36 = tpu.memref_slice %arg5[%add3A_35] : memref<1280000xf32, #tpu.memory_space<vmem_shared>> -> memref<3200xf32, #tpu.memory_space<vmem_shared>>
    tpu.enqueue_dma source(%arg14 : memref<3200xf32, #tpu.memory_space<vmem>>) target(%dma_start3A_36 : memref<3200xf32, #tpu.memory_space<vmem_shared>>) target_semaphore(%arg27 : memref<!tpu.dma_semaphore, #tpu.memory_space<semaphore_mem>>)
    %add3A_37 = arith.constant 3200 : i32
    %add3A_38 = arith.addi %mul3A_33, %add3A_37 : i32
    %dma_start3A_39 = tpu.memref_slice %arg5[%add3A_38] : memref<1280000xf32, #tpu.memory_space<vmem_shared>> -> memref<3200xf32, #tpu.memory_space<vmem_shared>>
    %dma_start3A_40 = tpu.memref_slice %arg5[%add3A_38] : memref<1280000xf32, #tpu.memory_space<vmem_shared>> -> memref<3200xf32, #tpu.memory_space<vmem_shared>>
    tpu.enqueue_dma source(%arg14 : memref<3200xf32, #tpu.memory_space<vmem>>) target(%dma_start3A_40 : memref<3200xf32, #tpu.memory_space<vmem_shared>>) target_semaphore(%arg27 : memref<!tpu.dma_semaphore, #tpu.memory_space<semaphore_mem>>)
    %add3A_41 = arith.constant 6400 : i32
    %add3A_42 = arith.addi %mul3A_33, %add3A_41 : i32
    %dma_start3A_43 = tpu.memref_slice %arg5[%add3A_42] : memref<1280000xf32, #tpu.memory_space<vmem_shared>> -> memref<3200xf32, #tpu.memory_space<vmem_shared>>
    %dma_start3A_44 = tpu.memref_slice %arg5[%add3A_42] : memref<1280000xf32, #tpu.memory_space<vmem_shared>> -> memref<3200xf32, #tpu.memory_space<vmem_shared>>
    tpu.enqueue_dma source(%arg14 : memref<3200xf32, #tpu.memory_space<vmem>>) target(%dma_start3A_44 : memref<3200xf32, #tpu.memory_space<vmem_shared>>) target_semaphore(%arg27 : memref<!tpu.dma_semaphore, #tpu.memory_space<semaphore_mem>>)
    %add3A_45 = arith.constant 9600 : i32
    %add3A_46 = arith.addi %mul3A_33, %add3A_45 : i32
    %dma_start3A_47 = tpu.memref_slice %arg5[%add3A_46] : memref<1280000xf32, #tpu.memory_space<vmem_shared>> -> memref<3200xf32, #tpu.memory_space<vmem_shared>>
    %dma_start3A_48 = tpu.memref_slice %arg5[%add3A_46] : memref<1280000xf32, #tpu.memory_space<vmem_shared>> -> memref<3200xf32, #tpu.memory_space<vmem_shared>>
    tpu.enqueue_dma source(%arg14 : memref<3200xf32, #tpu.memory_space<vmem>>) target(%dma_start3A_48 : memref<3200xf32, #tpu.memory_space<vmem_shared>>) target_semaphore(%arg27 : memref<!tpu.dma_semaphore, #tpu.memory_space<semaphore_mem>>)
    %add3A_49 = arith.constant 12800 : i32
    %add3A_50 = arith.addi %mul3A_33, %add3A_49 : i32
    %dma_start3A_51 = tpu.memref_slice %arg5[%add3A_50] : memref<1280000xf32, #tpu.memory_space<vmem_shared>> -> memref<3200xf32, #tpu.memory_space<vmem_shared>>
    %dma_start3A_52 = tpu.memref_slice %arg5[%add3A_50] : memref<1280000xf32, #tpu.memory_space<vmem_shared>> -> memref<3200xf32, #tpu.memory_space<vmem_shared>>
    tpu.enqueue_dma source(%arg14 : memref<3200xf32, #tpu.memory_space<vmem>>) target(%dma_start3A_52 : memref<3200xf32, #tpu.memory_space<vmem_shared>>) target_semaphore(%arg27 : memref<!tpu.dma_semaphore, #tpu.memory_space<semaphore_mem>>)
    %add3A_53 = arith.constant 16000 : i32
    %add3A_54 = arith.addi %mul3A_33, %add3A_53 : i32
    %dma_start3A_55 = tpu.memref_slice %arg5[%add3A_54] : memref<1280000xf32, #tpu.memory_space<vmem_shared>> -> memref<3200xf32, #tpu.memory_space<vmem_shared>>
    %dma_start3A_56 = tpu.memref_slice %arg5[%add3A_54] : memref<1280000xf32, #tpu.memory_space<vmem_shared>> -> memref<3200xf32, #tpu.memory_space<vmem_shared>>
    tpu.enqueue_dma source(%arg14 : memref<3200xf32, #tpu.memory_space<vmem>>) target(%dma_start3A_56 : memref<3200xf32, #tpu.memory_space<vmem_shared>>) target_semaphore(%arg27 : memref<!tpu.dma_semaphore, #tpu.memory_space<semaphore_mem>>)
    %add3A_57 = arith.constant 19200 : i32
    %add3A_58 = arith.addi %mul3A_33, %add3A_57 : i32
    %dma_start3A_59 = tpu.memref_slice %arg5[%add3A_58] : memref<1280000xf32, #tpu.memory_space<vmem_shared>> -> memref<3200xf32, #tpu.memory_space<vmem_shared>>
    %dma_start3A_60 = tpu.memref_slice %arg5[%add3A_58] : memref<1280000xf32, #tpu.memory_space<vmem_shared>> -> memref<3200xf32, #tpu.memory_space<vmem_shared>>
    tpu.enqueue_dma source(%arg14 : memref<3200xf32, #tpu.memory_space<vmem>>) target(%dma_start3A_60 : memref<3200xf32, #tpu.memory_space<vmem_shared>>) target_semaphore(%arg27 : memref<!tpu.dma_semaphore, #tpu.memory_space<semaphore_mem>>)
    %add3A_61 = arith.constant 22400 : i32
    %add3A_62 = arith.addi %mul3A_33, %add3A_61 : i32
    %dma_start3A_63 = tpu.memref_slice %arg5[%add3A_62] : memref<1280000xf32, #tpu.memory_space<vmem_shared>> -> memref<3200xf32, #tpu.memory_space<vmem_shared>>
    %dma_start3A_64 = tpu.memref_slice %arg5[%add3A_62] : memref<1280000xf32, #tpu.memory_space<vmem_shared>> -> memref<3200xf32, #tpu.memory_space<vmem_shared>>
    tpu.enqueue_dma source(%arg14 : memref<3200xf32, #tpu.memory_space<vmem>>) target(%dma_start3A_64 : memref<3200xf32, #tpu.memory_space<vmem_shared>>) target_semaphore(%arg27 : memref<!tpu.dma_semaphore, #tpu.memory_space<semaphore_mem>>)
    %add3A_65 = arith.constant 25600 : i32
    %add3A_66 = arith.addi %mul3A_33, %add3A_65 : i32
    %dma_start3A_67 = tpu.memref_slice %arg5[%add3A_66] : memref<1280000xf32, #tpu.memory_space<vmem_shared>> -> memref<3200xf32, #tpu.memory_space<vmem_shared>>
    %dma_start3A_68 = tpu.memref_slice %arg5[%add3A_66] : memref<1280000xf32, #tpu.memory_space<vmem_shared>> -> memref<3200xf32, #tpu.memory_space<vmem_shared>>
    tpu.enqueue_dma source(%arg14 : memref<3200xf32, #tpu.memory_space<vmem>>) target(%dma_start3A_68 : memref<3200xf32, #tpu.memory_space<vmem_shared>>) target_semaphore(%arg27 : memref<!tpu.dma_semaphore, #tpu.memory_space<semaphore_mem>>)
    %add3A_69 = arith.constant 28800 : i32
    %add3A_70 = arith.addi %mul3A_33, %add3A_69 : i32
    %dma_start3A_71 = tpu.memref_slice %arg5[%add3A_70] : memref<1280000xf32, #tpu.memory_space<vmem_shared>> -> memref<3200xf32, #tpu.memory_space<vmem_shared>>
    %dma_start3A_72 = tpu.memref_slice %arg5[%add3A_70] : memref<1280000xf32, #tpu.memory_space<vmem_shared>> -> memref<3200xf32, #tpu.memory_space<vmem_shared>>
    tpu.enqueue_dma source(%arg14 : memref<3200xf32, #tpu.memory_space<vmem>>) target(%dma_start3A_72 : memref<3200xf32, #tpu.memory_space<vmem_shared>>) target_semaphore(%arg27 : memref<!tpu.dma_semaphore, #tpu.memory_space<semaphore_mem>>)
    %add3A_73 = arith.constant 32000 : i32
    %add3A_74 = arith.addi %mul3A_33, %add3A_73 : i32
    %dma_start3A_75 = tpu.memref_slice %arg5[%add3A_74] : memref<1280000xf32, #tpu.memory_space<vmem_shared>> -> memref<3200xf32, #tpu.memory_space<vmem_shared>>
    %dma_start3A_76 = tpu.memref_slice %arg5[%add3A_74] : memref<1280000xf32, #tpu.memory_space<vmem_shared>> -> memref<3200xf32, #tpu.memory_space<vmem_shared>>
    tpu.enqueue_dma source(%arg14 : memref<3200xf32, #tpu.memory_space<vmem>>) target(%dma_start3A_76 : memref<3200xf32, #tpu.memory_space<vmem_shared>>) target_semaphore(%arg27 : memref<!tpu.dma_semaphore, #tpu.memory_space<semaphore_mem>>)
    %add3A_77 = arith.constant 35200 : i32
    %add3A_78 = arith.addi %mul3A_33, %add3A_77 : i32
    %dma_start3A_79 = tpu.memref_slice %arg5[%add3A_78] : memref<1280000xf32, #tpu.memory_space<vmem_shared>> -> memref<3200xf32, #tpu.memory_space<vmem_shared>>
    %dma_start3A_80 = tpu.memref_slice %arg5[%add3A_78] : memref<1280000xf32, #tpu.memory_space<vmem_shared>> -> memref<3200xf32, #tpu.memory_space<vmem_shared>>
    tpu.enqueue_dma source(%arg14 : memref<3200xf32, #tpu.memory_space<vmem>>) target(%dma_start3A_80 : memref<3200xf32, #tpu.memory_space<vmem_shared>>) target_semaphore(%arg27 : memref<!tpu.dma_semaphore, #tpu.memory_space<semaphore_mem>>)
    %add3A_81 = arith.constant 38400 : i32
    %add3A_82 = arith.addi %mul3A_33, %add3A_81 : i32
    %dma_start3A_83 = tpu.memref_slice %arg5[%add3A_82] : memref<1280000xf32, #tpu.memory_space<vmem_shared>> -> memref<3200xf32, #tpu.memory_space<vmem_shared>>
    %dma_start3A_84 = tpu.memref_slice %arg5[%add3A_82] : memref<1280000xf32, #tpu.memory_space<vmem_shared>> -> memref<3200xf32, #tpu.memory_space<vmem_shared>>
    tpu.enqueue_dma source(%arg14 : memref<3200xf32, #tpu.memory_space<vmem>>) target(%dma_start3A_84 : memref<3200xf32, #tpu.memory_space<vmem_shared>>) target_semaphore(%arg27 : memref<!tpu.dma_semaphore, #tpu.memory_space<semaphore_mem>>)
    %add3A_85 = arith.constant 41600 : i32
    %add3A_86 = arith.addi %mul3A_33, %add3A_85 : i32
    %dma_start3A_87 = tpu.memref_slice %arg5[%add3A_86] : memref<1280000xf32, #tpu.memory_space<vmem_shared>> -> memref<3200xf32, #tpu.memory_space<vmem_shared>>
    %dma_start3A_88 = tpu.memref_slice %arg5[%add3A_86] : memref<1280000xf32, #tpu.memory_space<vmem_shared>> -> memref<3200xf32, #tpu.memory_space<vmem_shared>>
    tpu.enqueue_dma source(%arg14 : memref<3200xf32, #tpu.memory_space<vmem>>) target(%dma_start3A_88 : memref<3200xf32, #tpu.memory_space<vmem_shared>>) target_semaphore(%arg27 : memref<!tpu.dma_semaphore, #tpu.memory_space<semaphore_mem>>)
    %add3A_89 = arith.constant 44800 : i32
    %add3A_90 = arith.addi %mul3A_33, %add3A_89 : i32
    %dma_start3A_91 = tpu.memref_slice %arg5[%add3A_90] : memref<1280000xf32, #tpu.memory_space<vmem_shared>> -> memref<3200xf32, #tpu.memory_space<vmem_shared>>
    %dma_start3A_92 = tpu.memref_slice %arg5[%add3A_90] : memref<1280000xf32, #tpu.memory_space<vmem_shared>> -> memref<3200xf32, #tpu.memory_space<vmem_shared>>
    tpu.enqueue_dma source(%arg14 : memref<3200xf32, #tpu.memory_space<vmem>>) target(%dma_start3A_92 : memref<3200xf32, #tpu.memory_space<vmem_shared>>) target_semaphore(%arg27 : memref<!tpu.dma_semaphore, #tpu.memory_space<semaphore_mem>>)
    %add3A_93 = arith.constant 48000 : i32
    %add3A_94 = arith.addi %mul3A_33, %add3A_93 : i32
    %dma_start3A_95 = tpu.memref_slice %arg5[%add3A_94] : memref<1280000xf32, #tpu.memory_space<vmem_shared>> -> memref<3200xf32, #tpu.memory_space<vmem_shared>>
    %dma_start3A_96 = tpu.memref_slice %arg5[%add3A_94] : memref<1280000xf32, #tpu.memory_space<vmem_shared>> -> memref<3200xf32, #tpu.memory_space<vmem_shared>>
    tpu.enqueue_dma source(%arg14 : memref<3200xf32, #tpu.memory_space<vmem>>) target(%dma_start3A_96 : memref<3200xf32, #tpu.memory_space<vmem_shared>>) target_semaphore(%arg27 : memref<!tpu.dma_semaphore, #tpu.memory_space<semaphore_mem>>)
    %add3A_97 = arith.constant 51200 : i32
    %add3A_98 = arith.addi %mul3A_33, %add3A_97 : i32
    %dma_start3A_99 = tpu.memref_slice %arg5[%add3A_98] : memref<1280000xf32, #tpu.memory_space<vmem_shared>> -> memref<3200xf32, #tpu.memory_space<vmem_shared>>
    %dma_start3A_100 = tpu.memref_slice %arg5[%add3A_98] : memref<1280000xf32, #tpu.memory_space<vmem_shared>> -> memref<3200xf32, #tpu.memory_space<vmem_shared>>
    tpu.enqueue_dma source(%arg14 : memref<3200xf32, #tpu.memory_space<vmem>>) target(%dma_start3A_100 : memref<3200xf32, #tpu.memory_space<vmem_shared>>) target_semaphore(%arg27 : memref<!tpu.dma_semaphore, #tpu.memory_space<semaphore_mem>>)
    %add3A_101 = arith.constant 54400 : i32
    %add3A_102 = arith.addi %mul3A_33, %add3A_101 : i32
    %dma_start3A_103 = tpu.memref_slice %arg5[%add3A_102] : memref<1280000xf32, #tpu.memory_space<vmem_shared>> -> memref<3200xf32, #tpu.memory_space<vmem_shared>>
    %dma_start3A_104 = tpu.memref_slice %arg5[%add3A_102] : memref<1280000xf32, #tpu.memory_space<vmem_shared>> -> memref<3200xf32, #tpu.memory_space<vmem_shared>>
    tpu.enqueue_dma source(%arg14 : memref<3200xf32, #tpu.memory_space<vmem>>) target(%dma_start3A_104 : memref<3200xf32, #tpu.memory_space<vmem_shared>>) target_semaphore(%arg27 : memref<!tpu.dma_semaphore, #tpu.memory_space<semaphore_mem>>)
    %add3A_105 = arith.constant 57600 : i32
    %add3A_106 = arith.addi %mul3A_33, %add3A_105 : i32
    %dma_start3A_107 = tpu.memref_slice %arg5[%add3A_106] : memref<1280000xf32, #tpu.memory_space<vmem_shared>> -> memref<3200xf32, #tpu.memory_space<vmem_shared>>
    %dma_start3A_108 = tpu.memref_slice %arg5[%add3A_106] : memref<1280000xf32, #tpu.memory_space<vmem_shared>> -> memref<3200xf32, #tpu.memory_space<vmem_shared>>
    tpu.enqueue_dma source(%arg14 : memref<3200xf32, #tpu.memory_space<vmem>>) target(%dma_start3A_108 : memref<3200xf32, #tpu.memory_space<vmem_shared>>) target_semaphore(%arg27 : memref<!tpu.dma_semaphore, #tpu.memory_space<semaphore_mem>>)
    %add3A_109 = arith.constant 60800 : i32
    %add3A_110 = arith.addi %mul3A_33, %add3A_109 : i32
    %dma_start3A_111 = tpu.memref_slice %arg5[%add3A_110] : memref<1280000xf32, #tpu.memory_space<vmem_shared>> -> memref<3200xf32, #tpu.memory_space<vmem_shared>>
    %dma_start3A_112 = tpu.memref_slice %arg5[%add3A_110] : memref<1280000xf32, #tpu.memory_space<vmem_shared>> -> memref<3200xf32, #tpu.memory_space<vmem_shared>>
    tpu.enqueue_dma source(%arg14 : memref<3200xf32, #tpu.memory_space<vmem>>) target(%dma_start3A_112 : memref<3200xf32, #tpu.memory_space<vmem_shared>>) target_semaphore(%arg27 : memref<!tpu.dma_semaphore, #tpu.memory_space<semaphore_mem>>)
    %add3A_113 = arith.constant 64000 : i32
    %add3A_114 = arith.addi %mul3A_33, %add3A_113 : i32
    %dma_start3A_115 = tpu.memref_slice %arg5[%add3A_114] : memref<1280000xf32, #tpu.memory_space<vmem_shared>> -> memref<3200xf32, #tpu.memory_space<vmem_shared>>
    %dma_start3A_116 = tpu.memref_slice %arg5[%add3A_114] : memref<1280000xf32, #tpu.memory_space<vmem_shared>> -> memref<3200xf32, #tpu.memory_space<vmem_shared>>
    tpu.enqueue_dma source(%arg14 : memref<3200xf32, #tpu.memory_space<vmem>>) target(%dma_start3A_116 : memref<3200xf32, #tpu.memory_space<vmem_shared>>) target_semaphore(%arg27 : memref<!tpu.dma_semaphore, #tpu.memory_space<semaphore_mem>>)
    %add3A_117 = arith.constant 67200 : i32
    %add3A_118 = arith.addi %mul3A_33, %add3A_117 : i32
    %dma_start3A_119 = tpu.memref_slice %arg5[%add3A_118] : memref<1280000xf32, #tpu.memory_space<vmem_shared>> -> memref<3200xf32, #tpu.memory_space<vmem_shared>>
    %dma_start3A_120 = tpu.memref_slice %arg5[%add3A_118] : memref<1280000xf32, #tpu.memory_space<vmem_shared>> -> memref<3200xf32, #tpu.memory_space<vmem_shared>>
    tpu.enqueue_dma source(%arg14 : memref<3200xf32, #tpu.memory_space<vmem>>) target(%dma_start3A_120 : memref<3200xf32, #tpu.memory_space<vmem_shared>>) target_semaphore(%arg27 : memref<!tpu.dma_semaphore, #tpu.memory_space<semaphore_mem>>)
    %add3A_121 = arith.constant 70400 : i32
    %add3A_122 = arith.addi %mul3A_33, %add3A_121 : i32
    %dma_start3A_123 = tpu.memref_slice %arg5[%add3A_122] : memref<1280000xf32, #tpu.memory_space<vmem_shared>> -> memref<3200xf32, #tpu.memory_space<vmem_shared>>
    %dma_start3A_124 = tpu.memref_slice %arg5[%add3A_122] : memref<1280000xf32, #tpu.memory_space<vmem_shared>> -> memref<3200xf32, #tpu.memory_space<vmem_shared>>
    tpu.enqueue_dma source(%arg14 : memref<3200xf32, #tpu.memory_space<vmem>>) target(%dma_start3A_124 : memref<3200xf32, #tpu.memory_space<vmem_shared>>) target_semaphore(%arg27 : memref<!tpu.dma_semaphore, #tpu.memory_space<semaphore_mem>>)
    %add3A_125 = arith.constant 73600 : i32
    %add3A_126 = arith.addi %mul3A_33, %add3A_125 : i32
    %dma_start3A_127 = tpu.memref_slice %arg5[%add3A_126] : memref<1280000xf32, #tpu.memory_space<vmem_shared>> -> memref<3200xf32, #tpu.memory_space<vmem_shared>>
    %dma_start3A_128 = tpu.memref_slice %arg5[%add3A_126] : memref<1280000xf32, #tpu.memory_space<vmem_shared>> -> memref<3200xf32, #tpu.memory_space<vmem_shared>>
    tpu.enqueue_dma source(%arg14 : memref<3200xf32, #tpu.memory_space<vmem>>) target(%dma_start3A_128 : memref<3200xf32, #tpu.memory_space<vmem_shared>>) target_semaphore(%arg27 : memref<!tpu.dma_semaphore, #tpu.memory_space<semaphore_mem>>)
    %add3A_129 = arith.constant 76800 : i32
    %add3A_130 = arith.addi %mul3A_33, %add3A_129 : i32
    %dma_start3A_131 = tpu.memref_slice %arg5[%add3A_130] : memref<1280000xf32, #tpu.memory_space<vmem_shared>> -> memref<3200xf32, #tpu.memory_space<vmem_shared>>
    %dma_start3A_132 = tpu.memref_slice %arg5[%add3A_130] : memref<1280000xf32, #tpu.memory_space<vmem_shared>> -> memref<3200xf32, #tpu.memory_space<vmem_shared>>
    tpu.enqueue_dma source(%arg14 : memref<3200xf32, #tpu.memory_space<vmem>>) target(%dma_start3A_132 : memref<3200xf32, #tpu.memory_space<vmem_shared>>) target_semaphore(%arg27 : memref<!tpu.dma_semaphore, #tpu.memory_space<semaphore_mem>>)
    %add3A_133 = arith.constant 0 : i32
    %add3A_134 = arith.addi %mul3A_33, %add3A_133 : i32
    %dma_wait3A = tpu.memref_slice %arg5[%add3A_134] : memref<1280000xf32, #tpu.memory_space<vmem_shared>> -> memref<3200xf32, #tpu.memory_space<vmem_shared>>
    %dma_wait3A_135 = tpu.memref_slice %arg5[%add3A_134] : memref<1280000xf32, #tpu.memory_space<vmem_shared>> -> memref<3200xf32, #tpu.memory_space<vmem_shared>>
    tpu.wait_dma2 semaphore(%arg27 : memref<!tpu.dma_semaphore, #tpu.memory_space<semaphore_mem>>) src(%arg14 : memref<3200xf32, #tpu.memory_space<vmem>>) dst(%dma_wait3A_135 : memref<3200xf32, #tpu.memory_space<vmem_shared>>)
    %add3A_136 = arith.constant 3200 : i32
    %add3A_137 = arith.addi %mul3A_33, %add3A_136 : i32
    %dma_wait3A_138 = tpu.memref_slice %arg5[%add3A_137] : memref<1280000xf32, #tpu.memory_space<vmem_shared>> -> memref<3200xf32, #tpu.memory_space<vmem_shared>>
    %dma_wait3A_139 = tpu.memref_slice %arg5[%add3A_137] : memref<1280000xf32, #tpu.memory_space<vmem_shared>> -> memref<3200xf32, #tpu.memory_space<vmem_shared>>
    tpu.wait_dma2 semaphore(%arg27 : memref<!tpu.dma_semaphore, #tpu.memory_space<semaphore_mem>>) src(%arg14 : memref<3200xf32, #tpu.memory_space<vmem>>) dst(%dma_wait3A_139 : memref<3200xf32, #tpu.memory_space<vmem_shared>>)
    %add3A_140 = arith.constant 6400 : i32
    %add3A_141 = arith.addi %mul3A_33, %add3A_140 : i32
    %dma_wait3A_142 = tpu.memref_slice %arg5[%add3A_141] : memref<1280000xf32, #tpu.memory_space<vmem_shared>> -> memref<3200xf32, #tpu.memory_space<vmem_shared>>
    %dma_wait3A_143 = tpu.memref_slice %arg5[%add3A_141] : memref<1280000xf32, #tpu.memory_space<vmem_shared>> -> memref<3200xf32, #tpu.memory_space<vmem_shared>>
    tpu.wait_dma2 semaphore(%arg27 : memref<!tpu.dma_semaphore, #tpu.memory_space<semaphore_mem>>) src(%arg14 : memref<3200xf32, #tpu.memory_space<vmem>>) dst(%dma_wait3A_143 : memref<3200xf32, #tpu.memory_space<vmem_shared>>)
    %add3A_144 = arith.constant 9600 : i32
    %add3A_145 = arith.addi %mul3A_33, %add3A_144 : i32
    %dma_wait3A_146 = tpu.memref_slice %arg5[%add3A_145] : memref<1280000xf32, #tpu.memory_space<vmem_shared>> -> memref<3200xf32, #tpu.memory_space<vmem_shared>>
    %dma_wait3A_147 = tpu.memref_slice %arg5[%add3A_145] : memref<1280000xf32, #tpu.memory_space<vmem_shared>> -> memref<3200xf32, #tpu.memory_space<vmem_shared>>
    tpu.wait_dma2 semaphore(%arg27 : memref<!tpu.dma_semaphore, #tpu.memory_space<semaphore_mem>>) src(%arg14 : memref<3200xf32, #tpu.memory_space<vmem>>) dst(%dma_wait3A_147 : memref<3200xf32, #tpu.memory_space<vmem_shared>>)
    %add3A_148 = arith.constant 12800 : i32
    %add3A_149 = arith.addi %mul3A_33, %add3A_148 : i32
    %dma_wait3A_150 = tpu.memref_slice %arg5[%add3A_149] : memref<1280000xf32, #tpu.memory_space<vmem_shared>> -> memref<3200xf32, #tpu.memory_space<vmem_shared>>
    %dma_wait3A_151 = tpu.memref_slice %arg5[%add3A_149] : memref<1280000xf32, #tpu.memory_space<vmem_shared>> -> memref<3200xf32, #tpu.memory_space<vmem_shared>>
    tpu.wait_dma2 semaphore(%arg27 : memref<!tpu.dma_semaphore, #tpu.memory_space<semaphore_mem>>) src(%arg14 : memref<3200xf32, #tpu.memory_space<vmem>>) dst(%dma_wait3A_151 : memref<3200xf32, #tpu.memory_space<vmem_shared>>)
    %add3A_152 = arith.constant 16000 : i32
    %add3A_153 = arith.addi %mul3A_33, %add3A_152 : i32
    %dma_wait3A_154 = tpu.memref_slice %arg5[%add3A_153] : memref<1280000xf32, #tpu.memory_space<vmem_shared>> -> memref<3200xf32, #tpu.memory_space<vmem_shared>>
    %dma_wait3A_155 = tpu.memref_slice %arg5[%add3A_153] : memref<1280000xf32, #tpu.memory_space<vmem_shared>> -> memref<3200xf32, #tpu.memory_space<vmem_shared>>
    tpu.wait_dma2 semaphore(%arg27 : memref<!tpu.dma_semaphore, #tpu.memory_space<semaphore_mem>>) src(%arg14 : memref<3200xf32, #tpu.memory_space<vmem>>) dst(%dma_wait3A_155 : memref<3200xf32, #tpu.memory_space<vmem_shared>>)
    %add3A_156 = arith.constant 19200 : i32
    %add3A_157 = arith.addi %mul3A_33, %add3A_156 : i32
    %dma_wait3A_158 = tpu.memref_slice %arg5[%add3A_157] : memref<1280000xf32, #tpu.memory_space<vmem_shared>> -> memref<3200xf32, #tpu.memory_space<vmem_shared>>
    %dma_wait3A_159 = tpu.memref_slice %arg5[%add3A_157] : memref<1280000xf32, #tpu.memory_space<vmem_shared>> -> memref<3200xf32, #tpu.memory_space<vmem_shared>>
    tpu.wait_dma2 semaphore(%arg27 : memref<!tpu.dma_semaphore, #tpu.memory_space<semaphore_mem>>) src(%arg14 : memref<3200xf32, #tpu.memory_space<vmem>>) dst(%dma_wait3A_159 : memref<3200xf32, #tpu.memory_space<vmem_shared>>)
    %add3A_160 = arith.constant 22400 : i32
    %add3A_161 = arith.addi %mul3A_33, %add3A_160 : i32
    %dma_wait3A_162 = tpu.memref_slice %arg5[%add3A_161] : memref<1280000xf32, #tpu.memory_space<vmem_shared>> -> memref<3200xf32, #tpu.memory_space<vmem_shared>>
    %dma_wait3A_163 = tpu.memref_slice %arg5[%add3A_161] : memref<1280000xf32, #tpu.memory_space<vmem_shared>> -> memref<3200xf32, #tpu.memory_space<vmem_shared>>
    tpu.wait_dma2 semaphore(%arg27 : memref<!tpu.dma_semaphore, #tpu.memory_space<semaphore_mem>>) src(%arg14 : memref<3200xf32, #tpu.memory_space<vmem>>) dst(%dma_wait3A_163 : memref<3200xf32, #tpu.memory_space<vmem_shared>>)
    %add3A_164 = arith.constant 25600 : i32
    %add3A_165 = arith.addi %mul3A_33, %add3A_164 : i32
    %dma_wait3A_166 = tpu.memref_slice %arg5[%add3A_165] : memref<1280000xf32, #tpu.memory_space<vmem_shared>> -> memref<3200xf32, #tpu.memory_space<vmem_shared>>
    %dma_wait3A_167 = tpu.memref_slice %arg5[%add3A_165] : memref<1280000xf32, #tpu.memory_space<vmem_shared>> -> memref<3200xf32, #tpu.memory_space<vmem_shared>>
    tpu.wait_dma2 semaphore(%arg27 : memref<!tpu.dma_semaphore, #tpu.memory_space<semaphore_mem>>) src(%arg14 : memref<3200xf32, #tpu.memory_space<vmem>>) dst(%dma_wait3A_167 : memref<3200xf32, #tpu.memory_space<vmem_shared>>)
    %add3A_168 = arith.constant 28800 : i32
    %add3A_169 = arith.addi %mul3A_33, %add3A_168 : i32
    %dma_wait3A_170 = tpu.memref_slice %arg5[%add3A_169] : memref<1280000xf32, #tpu.memory_space<vmem_shared>> -> memref<3200xf32, #tpu.memory_space<vmem_shared>>
    %dma_wait3A_171 = tpu.memref_slice %arg5[%add3A_169] : memref<1280000xf32, #tpu.memory_space<vmem_shared>> -> memref<3200xf32, #tpu.memory_space<vmem_shared>>
    tpu.wait_dma2 semaphore(%arg27 : memref<!tpu.dma_semaphore, #tpu.memory_space<semaphore_mem>>) src(%arg14 : memref<3200xf32, #tpu.memory_space<vmem>>) dst(%dma_wait3A_171 : memref<3200xf32, #tpu.memory_space<vmem_shared>>)
    %add3A_172 = arith.constant 32000 : i32
    %add3A_173 = arith.addi %mul3A_33, %add3A_172 : i32
    %dma_wait3A_174 = tpu.memref_slice %arg5[%add3A_173] : memref<1280000xf32, #tpu.memory_space<vmem_shared>> -> memref<3200xf32, #tpu.memory_space<vmem_shared>>
    %dma_wait3A_175 = tpu.memref_slice %arg5[%add3A_173] : memref<1280000xf32, #tpu.memory_space<vmem_shared>> -> memref<3200xf32, #tpu.memory_space<vmem_shared>>
    tpu.wait_dma2 semaphore(%arg27 : memref<!tpu.dma_semaphore, #tpu.memory_space<semaphore_mem>>) src(%arg14 : memref<3200xf32, #tpu.memory_space<vmem>>) dst(%dma_wait3A_175 : memref<3200xf32, #tpu.memory_space<vmem_shared>>)
    %add3A_176 = arith.constant 35200 : i32
    %add3A_177 = arith.addi %mul3A_33, %add3A_176 : i32
    %dma_wait3A_178 = tpu.memref_slice %arg5[%add3A_177] : memref<1280000xf32, #tpu.memory_space<vmem_shared>> -> memref<3200xf32, #tpu.memory_space<vmem_shared>>
    %dma_wait3A_179 = tpu.memref_slice %arg5[%add3A_177] : memref<1280000xf32, #tpu.memory_space<vmem_shared>> -> memref<3200xf32, #tpu.memory_space<vmem_shared>>
    tpu.wait_dma2 semaphore(%arg27 : memref<!tpu.dma_semaphore, #tpu.memory_space<semaphore_mem>>) src(%arg14 : memref<3200xf32, #tpu.memory_space<vmem>>) dst(%dma_wait3A_179 : memref<3200xf32, #tpu.memory_space<vmem_shared>>)
    %add3A_180 = arith.constant 38400 : i32
    %add3A_181 = arith.addi %mul3A_33, %add3A_180 : i32
    %dma_wait3A_182 = tpu.memref_slice %arg5[%add3A_181] : memref<1280000xf32, #tpu.memory_space<vmem_shared>> -> memref<3200xf32, #tpu.memory_space<vmem_shared>>
    %dma_wait3A_183 = tpu.memref_slice %arg5[%add3A_181] : memref<1280000xf32, #tpu.memory_space<vmem_shared>> -> memref<3200xf32, #tpu.memory_space<vmem_shared>>
    tpu.wait_dma2 semaphore(%arg27 : memref<!tpu.dma_semaphore, #tpu.memory_space<semaphore_mem>>) src(%arg14 : memref<3200xf32, #tpu.memory_space<vmem>>) dst(%dma_wait3A_183 : memref<3200xf32, #tpu.memory_space<vmem_shared>>)
    %add3A_184 = arith.constant 41600 : i32
    %add3A_185 = arith.addi %mul3A_33, %add3A_184 : i32
    %dma_wait3A_186 = tpu.memref_slice %arg5[%add3A_185] : memref<1280000xf32, #tpu.memory_space<vmem_shared>> -> memref<3200xf32, #tpu.memory_space<vmem_shared>>
    %dma_wait3A_187 = tpu.memref_slice %arg5[%add3A_185] : memref<1280000xf32, #tpu.memory_space<vmem_shared>> -> memref<3200xf32, #tpu.memory_space<vmem_shared>>
    tpu.wait_dma2 semaphore(%arg27 : memref<!tpu.dma_semaphore, #tpu.memory_space<semaphore_mem>>) src(%arg14 : memref<3200xf32, #tpu.memory_space<vmem>>) dst(%dma_wait3A_187 : memref<3200xf32, #tpu.memory_space<vmem_shared>>)
    %add3A_188 = arith.constant 44800 : i32
    %add3A_189 = arith.addi %mul3A_33, %add3A_188 : i32
    %dma_wait3A_190 = tpu.memref_slice %arg5[%add3A_189] : memref<1280000xf32, #tpu.memory_space<vmem_shared>> -> memref<3200xf32, #tpu.memory_space<vmem_shared>>
    %dma_wait3A_191 = tpu.memref_slice %arg5[%add3A_189] : memref<1280000xf32, #tpu.memory_space<vmem_shared>> -> memref<3200xf32, #tpu.memory_space<vmem_shared>>
    tpu.wait_dma2 semaphore(%arg27 : memref<!tpu.dma_semaphore, #tpu.memory_space<semaphore_mem>>) src(%arg14 : memref<3200xf32, #tpu.memory_space<vmem>>) dst(%dma_wait3A_191 : memref<3200xf32, #tpu.memory_space<vmem_shared>>)
    %add3A_192 = arith.constant 48000 : i32
    %add3A_193 = arith.addi %mul3A_33, %add3A_192 : i32
    %dma_wait3A_194 = tpu.memref_slice %arg5[%add3A_193] : memref<1280000xf32, #tpu.memory_space<vmem_shared>> -> memref<3200xf32, #tpu.memory_space<vmem_shared>>
    %dma_wait3A_195 = tpu.memref_slice %arg5[%add3A_193] : memref<1280000xf32, #tpu.memory_space<vmem_shared>> -> memref<3200xf32, #tpu.memory_space<vmem_shared>>
    tpu.wait_dma2 semaphore(%arg27 : memref<!tpu.dma_semaphore, #tpu.memory_space<semaphore_mem>>) src(%arg14 : memref<3200xf32, #tpu.memory_space<vmem>>) dst(%dma_wait3A_195 : memref<3200xf32, #tpu.memory_space<vmem_shared>>)
    %add3A_196 = arith.constant 51200 : i32
    %add3A_197 = arith.addi %mul3A_33, %add3A_196 : i32
    %dma_wait3A_198 = tpu.memref_slice %arg5[%add3A_197] : memref<1280000xf32, #tpu.memory_space<vmem_shared>> -> memref<3200xf32, #tpu.memory_space<vmem_shared>>
    %dma_wait3A_199 = tpu.memref_slice %arg5[%add3A_197] : memref<1280000xf32, #tpu.memory_space<vmem_shared>> -> memref<3200xf32, #tpu.memory_space<vmem_shared>>
    tpu.wait_dma2 semaphore(%arg27 : memref<!tpu.dma_semaphore, #tpu.memory_space<semaphore_mem>>) src(%arg14 : memref<3200xf32, #tpu.memory_space<vmem>>) dst(%dma_wait3A_199 : memref<3200xf32, #tpu.memory_space<vmem_shared>>)
    %add3A_200 = arith.constant 54400 : i32
    %add3A_201 = arith.addi %mul3A_33, %add3A_200 : i32
    %dma_wait3A_202 = tpu.memref_slice %arg5[%add3A_201] : memref<1280000xf32, #tpu.memory_space<vmem_shared>> -> memref<3200xf32, #tpu.memory_space<vmem_shared>>
    %dma_wait3A_203 = tpu.memref_slice %arg5[%add3A_201] : memref<1280000xf32, #tpu.memory_space<vmem_shared>> -> memref<3200xf32, #tpu.memory_space<vmem_shared>>
    tpu.wait_dma2 semaphore(%arg27 : memref<!tpu.dma_semaphore, #tpu.memory_space<semaphore_mem>>) src(%arg14 : memref<3200xf32, #tpu.memory_space<vmem>>) dst(%dma_wait3A_203 : memref<3200xf32, #tpu.memory_space<vmem_shared>>)
    %add3A_204 = arith.constant 57600 : i32
    %add3A_205 = arith.addi %mul3A_33, %add3A_204 : i32
    %dma_wait3A_206 = tpu.memref_slice %arg5[%add3A_205] : memref<1280000xf32, #tpu.memory_space<vmem_shared>> -> memref<3200xf32, #tpu.memory_space<vmem_shared>>
    %dma_wait3A_207 = tpu.memref_slice %arg5[%add3A_205] : memref<1280000xf32, #tpu.memory_space<vmem_shared>> -> memref<3200xf32, #tpu.memory_space<vmem_shared>>
    tpu.wait_dma2 semaphore(%arg27 : memref<!tpu.dma_semaphore, #tpu.memory_space<semaphore_mem>>) src(%arg14 : memref<3200xf32, #tpu.memory_space<vmem>>) dst(%dma_wait3A_207 : memref<3200xf32, #tpu.memory_space<vmem_shared>>)
    %add3A_208 = arith.constant 60800 : i32
    %add3A_209 = arith.addi %mul3A_33, %add3A_208 : i32
    %dma_wait3A_210 = tpu.memref_slice %arg5[%add3A_209] : memref<1280000xf32, #tpu.memory_space<vmem_shared>> -> memref<3200xf32, #tpu.memory_space<vmem_shared>>
    %dma_wait3A_211 = tpu.memref_slice %arg5[%add3A_209] : memref<1280000xf32, #tpu.memory_space<vmem_shared>> -> memref<3200xf32, #tpu.memory_space<vmem_shared>>
    tpu.wait_dma2 semaphore(%arg27 : memref<!tpu.dma_semaphore, #tpu.memory_space<semaphore_mem>>) src(%arg14 : memref<3200xf32, #tpu.memory_space<vmem>>) dst(%dma_wait3A_211 : memref<3200xf32, #tpu.memory_space<vmem_shared>>)
    %add3A_212 = arith.constant 64000 : i32
    %add3A_213 = arith.addi %mul3A_33, %add3A_212 : i32
    %dma_wait3A_214 = tpu.memref_slice %arg5[%add3A_213] : memref<1280000xf32, #tpu.memory_space<vmem_shared>> -> memref<3200xf32, #tpu.memory_space<vmem_shared>>
    %dma_wait3A_215 = tpu.memref_slice %arg5[%add3A_213] : memref<1280000xf32, #tpu.memory_space<vmem_shared>> -> memref<3200xf32, #tpu.memory_space<vmem_shared>>
    tpu.wait_dma2 semaphore(%arg27 : memref<!tpu.dma_semaphore, #tpu.memory_space<semaphore_mem>>) src(%arg14 : memref<3200xf32, #tpu.memory_space<vmem>>) dst(%dma_wait3A_215 : memref<3200xf32, #tpu.memory_space<vmem_shared>>)
    %add3A_216 = arith.constant 67200 : i32
    %add3A_217 = arith.addi %mul3A_33, %add3A_216 : i32
    %dma_wait3A_218 = tpu.memref_slice %arg5[%add3A_217] : memref<1280000xf32, #tpu.memory_space<vmem_shared>> -> memref<3200xf32, #tpu.memory_space<vmem_shared>>
    %dma_wait3A_219 = tpu.memref_slice %arg5[%add3A_217] : memref<1280000xf32, #tpu.memory_space<vmem_shared>> -> memref<3200xf32, #tpu.memory_space<vmem_shared>>
    tpu.wait_dma2 semaphore(%arg27 : memref<!tpu.dma_semaphore, #tpu.memory_space<semaphore_mem>>) src(%arg14 : memref<3200xf32, #tpu.memory_space<vmem>>) dst(%dma_wait3A_219 : memref<3200xf32, #tpu.memory_space<vmem_shared>>)
    %add3A_220 = arith.constant 70400 : i32
    %add3A_221 = arith.addi %mul3A_33, %add3A_220 : i32
    %dma_wait3A_222 = tpu.memref_slice %arg5[%add3A_221] : memref<1280000xf32, #tpu.memory_space<vmem_shared>> -> memref<3200xf32, #tpu.memory_space<vmem_shared>>
    %dma_wait3A_223 = tpu.memref_slice %arg5[%add3A_221] : memref<1280000xf32, #tpu.memory_space<vmem_shared>> -> memref<3200xf32, #tpu.memory_space<vmem_shared>>
    tpu.wait_dma2 semaphore(%arg27 : memref<!tpu.dma_semaphore, #tpu.memory_space<semaphore_mem>>) src(%arg14 : memref<3200xf32, #tpu.memory_space<vmem>>) dst(%dma_wait3A_223 : memref<3200xf32, #tpu.memory_space<vmem_shared>>)
    %add3A_224 = arith.constant 73600 : i32
    %add3A_225 = arith.addi %mul3A_33, %add3A_224 : i32
    %dma_wait3A_226 = tpu.memref_slice %arg5[%add3A_225] : memref<1280000xf32, #tpu.memory_space<vmem_shared>> -> memref<3200xf32, #tpu.memory_space<vmem_shared>>
    %dma_wait3A_227 = tpu.memref_slice %arg5[%add3A_225] : memref<1280000xf32, #tpu.memory_space<vmem_shared>> -> memref<3200xf32, #tpu.memory_space<vmem_shared>>
    tpu.wait_dma2 semaphore(%arg27 : memref<!tpu.dma_semaphore, #tpu.memory_space<semaphore_mem>>) src(%arg14 : memref<3200xf32, #tpu.memory_space<vmem>>) dst(%dma_wait3A_227 : memref<3200xf32, #tpu.memory_space<vmem_shared>>)
    %add3A_228 = arith.constant 76800 : i32
    %add3A_229 = arith.addi %mul3A_33, %add3A_228 : i32
    %dma_wait3A_230 = tpu.memref_slice %arg5[%add3A_229] : memref<1280000xf32, #tpu.memory_space<vmem_shared>> -> memref<3200xf32, #tpu.memory_space<vmem_shared>>
    %dma_wait3A_231 = tpu.memref_slice %arg5[%add3A_229] : memref<1280000xf32, #tpu.memory_space<vmem_shared>> -> memref<3200xf32, #tpu.memory_space<vmem_shared>>
    tpu.wait_dma2 semaphore(%arg27 : memref<!tpu.dma_semaphore, #tpu.memory_space<semaphore_mem>>) src(%arg14 : memref<3200xf32, #tpu.memory_space<vmem>>) dst(%dma_wait3A_231 : memref<3200xf32, #tpu.memory_space<vmem_shared>>)
    %barrier3A = arith.constant 0 : index
    tpu.barrier barrier_id(%barrier3A)
    %add3A_232 = arith.constant 0 : i32
    %add3A_233 = arith.addi %mul3A_2, %add3A_232 : i32
    %dma_start3A_234 = tpu.memref_slice %arg2[%add3A_233] : memref<40960000xi32, #tpu.memory_space<hbm>> -> memref<3200xi32, #tpu.memory_space<hbm>>
    %dma_start3A_235 = tpu.memref_slice %arg2[%add3A_233] : memref<40960000xi32, #tpu.memory_space<hbm>> -> memref<3200xi32, #tpu.memory_space<hbm>>
    tpu.enqueue_dma source(%dma_start3A_235 : memref<3200xi32, #tpu.memory_space<hbm>>) target(%arg6 : memref<3200xi32, #tpu.memory_space<vmem>>) target_semaphore(%arg15 : memref<!tpu.dma_semaphore, #tpu.memory_space<semaphore_mem>>)
    %dma_start3A_236 = tpu.memref_slice %arg3[%add3A_233] : memref<40960000xf32, #tpu.memory_space<hbm>> -> memref<3200xf32, #tpu.memory_space<hbm>>
    %dma_start3A_237 = tpu.memref_slice %arg3[%add3A_233] : memref<40960000xf32, #tpu.memory_space<hbm>> -> memref<3200xf32, #tpu.memory_space<hbm>>
    tpu.enqueue_dma source(%dma_start3A_237 : memref<3200xf32, #tpu.memory_space<hbm>>) target(%arg10 : memref<3200xf32, #tpu.memory_space<vmem>>) target_semaphore(%arg19 : memref<!tpu.dma_semaphore, #tpu.memory_space<semaphore_mem>>)
    %add3A_238 = arith.constant 3200 : i32
    %add3A_239 = arith.addi %mul3A_2, %add3A_238 : i32
    %dma_start3A_240 = tpu.memref_slice %arg2[%add3A_239] : memref<40960000xi32, #tpu.memory_space<hbm>> -> memref<3200xi32, #tpu.memory_space<hbm>>
    %dma_start3A_241 = tpu.memref_slice %arg2[%add3A_239] : memref<40960000xi32, #tpu.memory_space<hbm>> -> memref<3200xi32, #tpu.memory_space<hbm>>
    tpu.enqueue_dma source(%dma_start3A_241 : memref<3200xi32, #tpu.memory_space<hbm>>) target(%arg7 : memref<3200xi32, #tpu.memory_space<vmem>>) target_semaphore(%arg16 : memref<!tpu.dma_semaphore, #tpu.memory_space<semaphore_mem>>)
    %dma_start3A_242 = tpu.memref_slice %arg3[%add3A_239] : memref<40960000xf32, #tpu.memory_space<hbm>> -> memref<3200xf32, #tpu.memory_space<hbm>>
    %dma_start3A_243 = tpu.memref_slice %arg3[%add3A_239] : memref<40960000xf32, #tpu.memory_space<hbm>> -> memref<3200xf32, #tpu.memory_space<hbm>>
    tpu.enqueue_dma source(%dma_start3A_243 : memref<3200xf32, #tpu.memory_space<hbm>>) target(%arg11 : memref<3200xf32, #tpu.memory_space<vmem>>) target_semaphore(%arg20 : memref<!tpu.dma_semaphore, #tpu.memory_space<semaphore_mem>>)
    %scan3A_244 = arith.constant 0 : i32
    %scan3A_245 = arith.constant 100 : i32
    %scan3A_246 = arith.addi %scan3A_244, %scan3A_245 : i32
    %scan3A_247 = arith.constant 1 : i32
    scf.for %scan3A_268 = %scan3A_244 to %scan3A_246 step %scan3A_247  : i32 {
      %mul3A_269 = arith.constant 4 : i32
      %mul3A_270 = arith.muli %scan3A_268, %mul3A_269 : i32
      %add3A_271 = arith.constant 0 : i32
      %add3A_272 = arith.addi %add3A_271, %mul3A_270 : i32
      %add3A_273 = arith.constant 0 : i32
      %add3A_274 = arith.addi %add3A_272, %add3A_273 : i32
      %mul3A_275 = arith.constant 3200 : i32
      %mul3A_276 = arith.muli %add3A_274, %mul3A_275 : i32
      %add3A_277 = arith.addi %mul3A_2, %mul3A_276 : i32
      %dma_wait3A_278 = tpu.memref_slice %arg2[%add3A_277] : memref<40960000xi32, #tpu.memory_space<hbm>> -> memref<3200xi32, #tpu.memory_space<hbm>>
      %dma_wait3A_279 = tpu.memref_slice %arg2[%add3A_277] : memref<40960000xi32, #tpu.memory_space<hbm>> -> memref<3200xi32, #tpu.memory_space<hbm>>
      tpu.wait_dma2 semaphore(%arg15 : memref<!tpu.dma_semaphore, #tpu.memory_space<semaphore_mem>>) src(%dma_wait3A_279 : memref<3200xi32, #tpu.memory_space<hbm>>) dst(%arg6 : memref<3200xi32, #tpu.memory_space<vmem>>)
      %dma_wait3A_280 = tpu.memref_slice %arg3[%add3A_277] : memref<40960000xf32, #tpu.memory_space<hbm>> -> memref<3200xf32, #tpu.memory_space<hbm>>
      %dma_wait3A_281 = tpu.memref_slice %arg3[%add3A_277] : memref<40960000xf32, #tpu.memory_space<hbm>> -> memref<3200xf32, #tpu.memory_space<hbm>>
      tpu.wait_dma2 semaphore(%arg19 : memref<!tpu.dma_semaphore, #tpu.memory_space<semaphore_mem>>) src(%dma_wait3A_281 : memref<3200xf32, #tpu.memory_space<hbm>>) dst(%arg10 : memref<3200xf32, #tpu.memory_space<vmem>>)
      %scan3A_282 = arith.constant 0 : i32
      %scan3A_283 = arith.constant 25 : i32
      %scan3A_284 = arith.addi %scan3A_282, %scan3A_283 : i32
      %scan3A_285 = arith.constant 1 : i32
      scf.for %scan3A_381 = %scan3A_282 to %scan3A_284 step %scan3A_285  : i32 {
        %mul3A_382 = arith.constant 1 : i32
        %mul3A_383 = arith.muli %scan3A_381, %mul3A_382 : i32
        %add3A_384 = arith.constant 0 : i32
        %add3A_385 = arith.addi %add3A_384, %mul3A_383 : i32
        %mul3A_386 = arith.constant 128 : i32
        %mul3A_387 = arith.muli %add3A_385, %mul3A_386 : i32
        %add3A_388 = arith.constant 0 : i32
        %add3A_389 = arith.addi %mul3A_387, %add3A_388 : i32
        %get3A = arith.index_cast %add3A_389 : i32 to index
        %get3A_390 = tpu.vector_load %arg6[%get3A] {strides = array<i32>} : memref<3200xi32, #tpu.memory_space<vmem>>, vector<16xi32>,
        %shift_left3A = arith.constant 7 : i32
        %shift_left3A_391 = vector.broadcast %shift_left3A : i32 to vector<16xi32>
        %shift_left3A_392 = arith.shli %get3A_390, %shift_left3A_391 : vector<16xi32>
        %or3A = arith.ori %shift_left3A_392, %add3A_5 : vector<16xi32>
        %add3A_393 = arith.constant 0 : i32
        %add3A_394 = arith.addi %mul3A_387, %add3A_393 : i32
        %swap3A = arith.index_cast %add3A_394 : i32 to index
        %swap3A_395 = tpu.vector_load %arg6[%swap3A] {strides = array<i32>} : memref<3200xi32, #tpu.memory_space<vmem>>, vector<16xi32>,
        tpu.vector_store %arg6[%swap3A], %or3A {strides = array<i32>} : memref<3200xi32, #tpu.memory_space<vmem>>, vector<16xi32>,
        %add3A_396 = arith.constant 16 : i32
        %add3A_397 = arith.addi %mul3A_387, %add3A_396 : i32
        %get3A_398 = arith.index_cast %add3A_397 : i32 to index
        %get3A_399 = tpu.vector_load %arg6[%get3A_398] {strides = array<i32>} : memref<3200xi32, #tpu.memory_space<vmem>>, vector<16xi32>,
        %shift_left3A_400 = arith.constant 7 : i32
        %shift_left3A_401 = vector.broadcast %shift_left3A_400 : i32 to vector<16xi32>
        %shift_left3A_402 = arith.shli %get3A_399, %shift_left3A_401 : vector<16xi32>
        %or3A_403 = arith.ori %shift_left3A_402, %add3A_8 : vector<16xi32>
        %add3A_404 = arith.constant 16 : i32
        %add3A_405 = arith.addi %mul3A_387, %add3A_404 : i32
        %swap3A_406 = arith.index_cast %add3A_405 : i32 to index
        %swap3A_407 = tpu.vector_load %arg6[%swap3A_406] {strides = array<i32>} : memref<3200xi32, #tpu.memory_space<vmem>>, vector<16xi32>,
        tpu.vector_store %arg6[%swap3A_406], %or3A_403 {strides = array<i32>} : memref<3200xi32, #tpu.memory_space<vmem>>, vector<16xi32>,
        %add3A_408 = arith.constant 32 : i32
        %add3A_409 = arith.addi %mul3A_387, %add3A_408 : i32
        %get3A_410 = arith.index_cast %add3A_409 : i32 to index
        %get3A_411 = tpu.vector_load %arg6[%get3A_410] {strides = array<i32>} : memref<3200xi32, #tpu.memory_space<vmem>>, vector<16xi32>,
        %shift_left3A_412 = arith.constant 7 : i32
        %shift_left3A_413 = vector.broadcast %shift_left3A_412 : i32 to vector<16xi32>
        %shift_left3A_414 = arith.shli %get3A_411, %shift_left3A_413 : vector<16xi32>
        %or3A_415 = arith.ori %shift_left3A_414, %add3A_11 : vector<16xi32>
        %add3A_416 = arith.constant 32 : i32
        %add3A_417 = arith.addi %mul3A_387, %add3A_416 : i32
        %swap3A_418 = arith.index_cast %add3A_417 : i32 to index
        %swap3A_419 = tpu.vector_load %arg6[%swap3A_418] {strides = array<i32>} : memref<3200xi32, #tpu.memory_space<vmem>>, vector<16xi32>,
        tpu.vector_store %arg6[%swap3A_418], %or3A_415 {strides = array<i32>} : memref<3200xi32, #tpu.memory_space<vmem>>, vector<16xi32>,
        %add3A_420 = arith.constant 48 : i32
        %add3A_421 = arith.addi %mul3A_387, %add3A_420 : i32
        %get3A_422 = arith.index_cast %add3A_421 : i32 to index
        %get3A_423 = tpu.vector_load %arg6[%get3A_422] {strides = array<i32>} : memref<3200xi32, #tpu.memory_space<vmem>>, vector<16xi32>,
        %shift_left3A_424 = arith.constant 7 : i32
        %shift_left3A_425 = vector.broadcast %shift_left3A_424 : i32 to vector<16xi32>
        %shift_left3A_426 = arith.shli %get3A_423, %shift_left3A_425 : vector<16xi32>
        %or3A_427 = arith.ori %shift_left3A_426, %add3A_14 : vector<16xi32>
        %add3A_428 = arith.constant 48 : i32
        %add3A_429 = arith.addi %mul3A_387, %add3A_428 : i32
        %swap3A_430 = arith.index_cast %add3A_429 : i32 to index
        %swap3A_431 = tpu.vector_load %arg6[%swap3A_430] {strides = array<i32>} : memref<3200xi32, #tpu.memory_space<vmem>>, vector<16xi32>,
        tpu.vector_store %arg6[%swap3A_430], %or3A_427 {strides = array<i32>} : memref<3200xi32, #tpu.memory_space<vmem>>, vector<16xi32>,
        %add3A_432 = arith.constant 64 : i32
        %add3A_433 = arith.addi %mul3A_387, %add3A_432 : i32
        %get3A_434 = arith.index_cast %add3A_433 : i32 to index
        %get3A_435 = tpu.vector_load %arg6[%get3A_434] {strides = array<i32>} : memref<3200xi32, #tpu.memory_space<vmem>>, vector<16xi32>,
        %shift_left3A_436 = arith.constant 7 : i32
        %shift_left3A_437 = vector.broadcast %shift_left3A_436 : i32 to vector<16xi32>
        %shift_left3A_438 = arith.shli %get3A_435, %shift_left3A_437 : vector<16xi32>
        %or3A_439 = arith.ori %shift_left3A_438, %add3A_17 : vector<16xi32>
        %add3A_440 = arith.constant 64 : i32
        %add3A_441 = arith.addi %mul3A_387, %add3A_440 : i32
        %swap3A_442 = arith.index_cast %add3A_441 : i32 to index
        %swap3A_443 = tpu.vector_load %arg6[%swap3A_442] {strides = array<i32>} : memref<3200xi32, #tpu.memory_space<vmem>>, vector<16xi32>,
        tpu.vector_store %arg6[%swap3A_442], %or3A_439 {strides = array<i32>} : memref<3200xi32, #tpu.memory_space<vmem>>, vector<16xi32>,
        %add3A_444 = arith.constant 80 : i32
        %add3A_445 = arith.addi %mul3A_387, %add3A_444 : i32
        %get3A_446 = arith.index_cast %add3A_445 : i32 to index
        %get3A_447 = tpu.vector_load %arg6[%get3A_446] {strides = array<i32>} : memref<3200xi32, #tpu.memory_space<vmem>>, vector<16xi32>,
        %shift_left3A_448 = arith.constant 7 : i32
        %shift_left3A_449 = vector.broadcast %shift_left3A_448 : i32 to vector<16xi32>
        %shift_left3A_450 = arith.shli %get3A_447, %shift_left3A_449 : vector<16xi32>
        %or3A_451 = arith.ori %shift_left3A_450, %add3A_20 : vector<16xi32>
        %add3A_452 = arith.constant 80 : i32
        %add3A_453 = arith.addi %mul3A_387, %add3A_452 : i32
        %swap3A_454 = arith.index_cast %add3A_453 : i32 to index
        %swap3A_455 = tpu.vector_load %arg6[%swap3A_454] {strides = array<i32>} : memref<3200xi32, #tpu.memory_space<vmem>>, vector<16xi32>,
        tpu.vector_store %arg6[%swap3A_454], %or3A_451 {strides = array<i32>} : memref<3200xi32, #tpu.memory_space<vmem>>, vector<16xi32>,
        %add3A_456 = arith.constant 96 : i32
        %add3A_457 = arith.addi %mul3A_387, %add3A_456 : i32
        %get3A_458 = arith.index_cast %add3A_457 : i32 to index
        %get3A_459 = tpu.vector_load %arg6[%get3A_458] {strides = array<i32>} : memref<3200xi32, #tpu.memory_space<vmem>>, vector<16xi32>,
        %shift_left3A_460 = arith.constant 7 : i32
        %shift_left3A_461 = vector.broadcast %shift_left3A_460 : i32 to vector<16xi32>
        %shift_left3A_462 = arith.shli %get3A_459, %shift_left3A_461 : vector<16xi32>
        %or3A_463 = arith.ori %shift_left3A_462, %add3A_23 : vector<16xi32>
        %add3A_464 = arith.constant 96 : i32
        %add3A_465 = arith.addi %mul3A_387, %add3A_464 : i32
        %swap3A_466 = arith.index_cast %add3A_465 : i32 to index
        %swap3A_467 = tpu.vector_load %arg6[%swap3A_466] {strides = array<i32>} : memref<3200xi32, #tpu.memory_space<vmem>>, vector<16xi32>,
        tpu.vector_store %arg6[%swap3A_466], %or3A_463 {strides = array<i32>} : memref<3200xi32, #tpu.memory_space<vmem>>, vector<16xi32>,
        %add3A_468 = arith.constant 112 : i32
        %add3A_469 = arith.addi %mul3A_387, %add3A_468 : i32
        %get3A_470 = arith.index_cast %add3A_469 : i32 to index
        %get3A_471 = tpu.vector_load %arg6[%get3A_470] {strides = array<i32>} : memref<3200xi32, #tpu.memory_space<vmem>>, vector<16xi32>,
        %shift_left3A_472 = arith.constant 7 : i32
        %shift_left3A_473 = vector.broadcast %shift_left3A_472 : i32 to vector<16xi32>
        %shift_left3A_474 = arith.shli %get3A_471, %shift_left3A_473 : vector<16xi32>
        %or3A_475 = arith.ori %shift_left3A_474, %add3A_26 : vector<16xi32>
        %add3A_476 = arith.constant 112 : i32
        %add3A_477 = arith.addi %mul3A_387, %add3A_476 : i32
        %swap3A_478 = arith.index_cast %add3A_477 : i32 to index
        %swap3A_479 = tpu.vector_load %arg6[%swap3A_478] {strides = array<i32>} : memref<3200xi32, #tpu.memory_space<vmem>>, vector<16xi32>,
        tpu.vector_store %arg6[%swap3A_478], %or3A_475 {strides = array<i32>} : memref<3200xi32, #tpu.memory_space<vmem>>, vector<16xi32>,
      }
      %scan3A_286 = arith.constant 25 : i32
      %dma_start3A_287 = arith.constant 0 : i32
      %dma_start3A_288 = tpu.memref_slice %arg5[%dma_start3A_287] : memref<1280000xf32, #tpu.memory_space<vmem_shared>> -> memref<1280000xf32, #tpu.memory_space<vmem_shared>>
      tpu.enqueue_indirect_dma source(%arg10 : memref<3200xf32, #tpu.memory_space<vmem>>) target(%dma_start3A_288 : memref<1280000xf32, #tpu.memory_space<vmem_shared>>) offsets(%arg6 : memref<3200xi32, #tpu.memory_space<vmem>>) semaphore(%arg23 : memref<!tpu.dma_semaphore, #tpu.memory_space<semaphore_mem>>) {add = true}
      %ge3A = arith.constant 2 : i32
      %ge3A_289 = arith.cmpi sge, %add3A_274, %ge3A : i32
      %convert_element_type3A = arith.extui %ge3A_289 : i1 to i32
      %cond3A = arith.constant 0 : i32
      %cond3A_290 = arith.cmpi ne, %convert_element_type3A, %cond3A : i32
      scf.if %cond3A_290 {
        %dma_wait3A_381 = arith.constant 0 : i32
        %dma_wait3A_382 = tpu.memref_slice %arg5[%dma_wait3A_381] : memref<1280000xf32, #tpu.memory_space<vmem_shared>> -> memref<1280000xf32, #tpu.memory_space<vmem_shared>>
        tpu.wait_indirect_dma semaphore(%arg25 : memref<!tpu.dma_semaphore, #tpu.memory_space<semaphore_mem>>) src(%arg12 : memref<3200xf32, #tpu.memory_space<vmem>>) dst(%dma_wait3A_382 : memref<1280000xf32, #tpu.memory_space<vmem_shared>>)
      } else {
      }
      %add3A_291 = arith.constant 2 : i32
      %add3A_292 = arith.addi %add3A_274, %add3A_291 : i32
      %lt3A = arith.constant 400 : i32
      %lt3A_293 = arith.cmpi slt, %add3A_292, %lt3A : i32
      %convert_element_type3A_294 = arith.extui %lt3A_293 : i1 to i32
      %cond3A_295 = arith.constant 0 : i32
      %cond3A_296 = arith.cmpi ne, %convert_element_type3A_294, %cond3A_295 : i32
      scf.if %cond3A_296 {
        %add3A_381 = arith.constant 2 : i32
        %add3A_382 = arith.addi %add3A_274, %add3A_381 : i32
        %mul3A_383 = arith.constant 3200 : i32
        %mul3A_384 = arith.muli %add3A_382, %mul3A_383 : i32
        %add3A_385 = arith.addi %mul3A_2, %mul3A_384 : i32
        %dma_start3A_386 = tpu.memref_slice %arg2[%add3A_385] : memref<40960000xi32, #tpu.memory_space<hbm>> -> memref<3200xi32, #tpu.memory_space<hbm>>
        %dma_start3A_387 = tpu.memref_slice %arg2[%add3A_385] : memref<40960000xi32, #tpu.memory_space<hbm>> -> memref<3200xi32, #tpu.memory_space<hbm>>
        tpu.enqueue_dma source(%dma_start3A_387 : memref<3200xi32, #tpu.memory_space<hbm>>) target(%arg8 : memref<3200xi32, #tpu.memory_space<vmem>>) target_semaphore(%arg17 : memref<!tpu.dma_semaphore, #tpu.memory_space<semaphore_mem>>)
        %dma_start3A_388 = tpu.memref_slice %arg3[%add3A_385] : memref<40960000xf32, #tpu.memory_space<hbm>> -> memref<3200xf32, #tpu.memory_space<hbm>>
        %dma_start3A_389 = tpu.memref_slice %arg3[%add3A_385] : memref<40960000xf32, #tpu.memory_space<hbm>> -> memref<3200xf32, #tpu.memory_space<hbm>>
        tpu.enqueue_dma source(%dma_start3A_389 : memref<3200xf32, #tpu.memory_space<hbm>>) target(%arg12 : memref<3200xf32, #tpu.memory_space<vmem>>) target_semaphore(%arg21 : memref<!tpu.dma_semaphore, #tpu.memory_space<semaphore_mem>>)
      } else {
      }
      %add3A_297 = arith.constant 1 : i32
      %add3A_298 = arith.addi %add3A_272, %add3A_297 : i32
      %mul3A_299 = arith.constant 3200 : i32
      %mul3A_300 = arith.muli %add3A_298, %mul3A_299 : i32
      %add3A_301 = arith.addi %mul3A_2, %mul3A_300 : i32
      %dma_wait3A_302 = tpu.memref_slice %arg2[%add3A_301] : memref<40960000xi32, #tpu.memory_space<hbm>> -> memref<3200xi32, #tpu.memory_space<hbm>>
      %dma_wait3A_303 = tpu.memref_slice %arg2[%add3A_301] : memref<40960000xi32, #tpu.memory_space<hbm>> -> memref<3200xi32, #tpu.memory_space<hbm>>
      tpu.wait_dma2 semaphore(%arg16 : memref<!tpu.dma_semaphore, #tpu.memory_space<semaphore_mem>>) src(%dma_wait3A_303 : memref<3200xi32, #tpu.memory_space<hbm>>) dst(%arg7 : memref<3200xi32, #tpu.memory_space<vmem>>)
      %dma_wait3A_304 = tpu.memref_slice %arg3[%add3A_301] : memref<40960000xf32, #tpu.memory_space<hbm>> -> memref<3200xf32, #tpu.memory_space<hbm>>
      %dma_wait3A_305 = tpu.memref_slice %arg3[%add3A_301] : memref<40960000xf32, #tpu.memory_space<hbm>> -> memref<3200xf32, #tpu.memory_space<hbm>>
      tpu.wait_dma2 semaphore(%arg20 : memref<!tpu.dma_semaphore, #tpu.memory_space<semaphore_mem>>) src(%dma_wait3A_305 : memref<3200xf32, #tpu.memory_space<hbm>>) dst(%arg11 : memref<3200xf32, #tpu.memory_space<vmem>>)
      %scan3A_306 = arith.constant 0 : i32
      %scan3A_307 = arith.constant 25 : i32
      %scan3A_308 = arith.addi %scan3A_306, %scan3A_307 : i32
      %scan3A_309 = arith.constant 1 : i32
      scf.for %scan3A_381 = %scan3A_306 to %scan3A_308 step %scan3A_309  : i32 {
        %mul3A_382 = arith.constant 1 : i32
        %mul3A_383 = arith.muli %scan3A_381, %mul3A_382 : i32
        %add3A_384 = arith.constant 0 : i32
        %add3A_385 = arith.addi %add3A_384, %mul3A_383 : i32
        %mul3A_386 = arith.constant 128 : i32
        %mul3A_387 = arith.muli %add3A_385, %mul3A_386 : i32
        %add3A_388 = arith.constant 0 : i32
        %add3A_389 = arith.addi %mul3A_387, %add3A_388 : i32
        %get3A = arith.index_cast %add3A_389 : i32 to index
        %get3A_390 = tpu.vector_load %arg7[%get3A] {strides = array<i32>} : memref<3200xi32, #tpu.memory_space<vmem>>, vector<16xi32>,
        %shift_left3A = arith.constant 7 : i32
        %shift_left3A_391 = vector.broadcast %shift_left3A : i32 to vector<16xi32>
        %shift_left3A_392 = arith.shli %get3A_390, %shift_left3A_391 : vector<16xi32>
        %or3A = arith.ori %shift_left3A_392, %add3A_5 : vector<16xi32>
        %add3A_393 = arith.constant 0 : i32
        %add3A_394 = arith.addi %mul3A_387, %add3A_393 : i32
        %swap3A = arith.index_cast %add3A_394 : i32 to index
        %swap3A_395 = tpu.vector_load %arg7[%swap3A] {strides = array<i32>} : memref<3200xi32, #tpu.memory_space<vmem>>, vector<16xi32>,
        tpu.vector_store %arg7[%swap3A], %or3A {strides = array<i32>} : memref<3200xi32, #tpu.memory_space<vmem>>, vector<16xi32>,
        %add3A_396 = arith.constant 16 : i32
        %add3A_397 = arith.addi %mul3A_387, %add3A_396 : i32
        %get3A_398 = arith.index_cast %add3A_397 : i32 to index
        %get3A_399 = tpu.vector_load %arg7[%get3A_398] {strides = array<i32>} : memref<3200xi32, #tpu.memory_space<vmem>>, vector<16xi32>,
        %shift_left3A_400 = arith.constant 7 : i32
        %shift_left3A_401 = vector.broadcast %shift_left3A_400 : i32 to vector<16xi32>
        %shift_left3A_402 = arith.shli %get3A_399, %shift_left3A_401 : vector<16xi32>
        %or3A_403 = arith.ori %shift_left3A_402, %add3A_8 : vector<16xi32>
        %add3A_404 = arith.constant 16 : i32
        %add3A_405 = arith.addi %mul3A_387, %add3A_404 : i32
        %swap3A_406 = arith.index_cast %add3A_405 : i32 to index
        %swap3A_407 = tpu.vector_load %arg7[%swap3A_406] {strides = array<i32>} : memref<3200xi32, #tpu.memory_space<vmem>>, vector<16xi32>,
        tpu.vector_store %arg7[%swap3A_406], %or3A_403 {strides = array<i32>} : memref<3200xi32, #tpu.memory_space<vmem>>, vector<16xi32>,
        %add3A_408 = arith.constant 32 : i32
        %add3A_409 = arith.addi %mul3A_387, %add3A_408 : i32
        %get3A_410 = arith.index_cast %add3A_409 : i32 to index
        %get3A_411 = tpu.vector_load %arg7[%get3A_410] {strides = array<i32>} : memref<3200xi32, #tpu.memory_space<vmem>>, vector<16xi32>,
        %shift_left3A_412 = arith.constant 7 : i32
        %shift_left3A_413 = vector.broadcast %shift_left3A_412 : i32 to vector<16xi32>
        %shift_left3A_414 = arith.shli %get3A_411, %shift_left3A_413 : vector<16xi32>
        %or3A_415 = arith.ori %shift_left3A_414, %add3A_11 : vector<16xi32>
        %add3A_416 = arith.constant 32 : i32
        %add3A_417 = arith.addi %mul3A_387, %add3A_416 : i32
        %swap3A_418 = arith.index_cast %add3A_417 : i32 to index
        %swap3A_419 = tpu.vector_load %arg7[%swap3A_418] {strides = array<i32>} : memref<3200xi32, #tpu.memory_space<vmem>>, vector<16xi32>,
        tpu.vector_store %arg7[%swap3A_418], %or3A_415 {strides = array<i32>} : memref<3200xi32, #tpu.memory_space<vmem>>, vector<16xi32>,
        %add3A_420 = arith.constant 48 : i32
        %add3A_421 = arith.addi %mul3A_387, %add3A_420 : i32
        %get3A_422 = arith.index_cast %add3A_421 : i32 to index
        %get3A_423 = tpu.vector_load %arg7[%get3A_422] {strides = array<i32>} : memref<3200xi32, #tpu.memory_space<vmem>>, vector<16xi32>,
        %shift_left3A_424 = arith.constant 7 : i32
        %shift_left3A_425 = vector.broadcast %shift_left3A_424 : i32 to vector<16xi32>
        %shift_left3A_426 = arith.shli %get3A_423, %shift_left3A_425 : vector<16xi32>
        %or3A_427 = arith.ori %shift_left3A_426, %add3A_14 : vector<16xi32>
        %add3A_428 = arith.constant 48 : i32
        %add3A_429 = arith.addi %mul3A_387, %add3A_428 : i32
        %swap3A_430 = arith.index_cast %add3A_429 : i32 to index
        %swap3A_431 = tpu.vector_load %arg7[%swap3A_430] {strides = array<i32>} : memref<3200xi32, #tpu.memory_space<vmem>>, vector<16xi32>,
        tpu.vector_store %arg7[%swap3A_430], %or3A_427 {strides = array<i32>} : memref<3200xi32, #tpu.memory_space<vmem>>, vector<16xi32>,
        %add3A_432 = arith.constant 64 : i32
        %add3A_433 = arith.addi %mul3A_387, %add3A_432 : i32
        %get3A_434 = arith.index_cast %add3A_433 : i32 to index
        %get3A_435 = tpu.vector_load %arg7[%get3A_434] {strides = array<i32>} : memref<3200xi32, #tpu.memory_space<vmem>>, vector<16xi32>,
        %shift_left3A_436 = arith.constant 7 : i32
        %shift_left3A_437 = vector.broadcast %shift_left3A_436 : i32 to vector<16xi32>
        %shift_left3A_438 = arith.shli %get3A_435, %shift_left3A_437 : vector<16xi32>
        %or3A_439 = arith.ori %shift_left3A_438, %add3A_17 : vector<16xi32>
        %add3A_440 = arith.constant 64 : i32
        %add3A_441 = arith.addi %mul3A_387, %add3A_440 : i32
        %swap3A_442 = arith.index_cast %add3A_441 : i32 to index
        %swap3A_443 = tpu.vector_load %arg7[%swap3A_442] {strides = array<i32>} : memref<3200xi32, #tpu.memory_space<vmem>>, vector<16xi32>,
        tpu.vector_store %arg7[%swap3A_442], %or3A_439 {strides = array<i32>} : memref<3200xi32, #tpu.memory_space<vmem>>, vector<16xi32>,
        %add3A_444 = arith.constant 80 : i32
        %add3A_445 = arith.addi %mul3A_387, %add3A_444 : i32
        %get3A_446 = arith.index_cast %add3A_445 : i32 to index
        %get3A_447 = tpu.vector_load %arg7[%get3A_446] {strides = array<i32>} : memref<3200xi32, #tpu.memory_space<vmem>>, vector<16xi32>,
        %shift_left3A_448 = arith.constant 7 : i32
        %shift_left3A_449 = vector.broadcast %shift_left3A_448 : i32 to vector<16xi32>
        %shift_left3A_450 = arith.shli %get3A_447, %shift_left3A_449 : vector<16xi32>
        %or3A_451 = arith.ori %shift_left3A_450, %add3A_20 : vector<16xi32>
        %add3A_452 = arith.constant 80 : i32
        %add3A_453 = arith.addi %mul3A_387, %add3A_452 : i32
        %swap3A_454 = arith.index_cast %add3A_453 : i32 to index
        %swap3A_455 = tpu.vector_load %arg7[%swap3A_454] {strides = array<i32>} : memref<3200xi32, #tpu.memory_space<vmem>>, vector<16xi32>,
        tpu.vector_store %arg7[%swap3A_454], %or3A_451 {strides = array<i32>} : memref<3200xi32, #tpu.memory_space<vmem>>, vector<16xi32>,
        %add3A_456 = arith.constant 96 : i32
        %add3A_457 = arith.addi %mul3A_387, %add3A_456 : i32
        %get3A_458 = arith.index_cast %add3A_457 : i32 to index
        %get3A_459 = tpu.vector_load %arg7[%get3A_458] {strides = array<i32>} : memref<3200xi32, #tpu.memory_space<vmem>>, vector<16xi32>,
        %shift_left3A_460 = arith.constant 7 : i32
        %shift_left3A_461 = vector.broadcast %shift_left3A_460 : i32 to vector<16xi32>
        %shift_left3A_462 = arith.shli %get3A_459, %shift_left3A_461 : vector<16xi32>
        %or3A_463 = arith.ori %shift_left3A_462, %add3A_23 : vector<16xi32>
        %add3A_464 = arith.constant 96 : i32
        %add3A_465 = arith.addi %mul3A_387, %add3A_464 : i32
        %swap3A_466 = arith.index_cast %add3A_465 : i32 to index
        %swap3A_467 = tpu.vector_load %arg7[%swap3A_466] {strides = array<i32>} : memref<3200xi32, #tpu.memory_space<vmem>>, vector<16xi32>,
        tpu.vector_store %arg7[%swap3A_466], %or3A_463 {strides = array<i32>} : memref<3200xi32, #tpu.memory_space<vmem>>, vector<16xi32>,
        %add3A_468 = arith.constant 112 : i32
        %add3A_469 = arith.addi %mul3A_387, %add3A_468 : i32
        %get3A_470 = arith.index_cast %add3A_469 : i32 to index
        %get3A_471 = tpu.vector_load %arg7[%get3A_470] {strides = array<i32>} : memref<3200xi32, #tpu.memory_space<vmem>>, vector<16xi32>,
        %shift_left3A_472 = arith.constant 7 : i32
        %shift_left3A_473 = vector.broadcast %shift_left3A_472 : i32 to vector<16xi32>
        %shift_left3A_474 = arith.shli %get3A_471, %shift_left3A_473 : vector<16xi32>
        %or3A_475 = arith.ori %shift_left3A_474, %add3A_26 : vector<16xi32>
        %add3A_476 = arith.constant 112 : i32
        %add3A_477 = arith.addi %mul3A_387, %add3A_476 : i32
        %swap3A_478 = arith.index_cast %add3A_477 : i32 to index
        %swap3A_479 = tpu.vector_load %arg7[%swap3A_478] {strides = array<i32>} : memref<3200xi32, #tpu.memory_space<vmem>>, vector<16xi32>,
        tpu.vector_store %arg7[%swap3A_478], %or3A_475 {strides = array<i32>} : memref<3200xi32, #tpu.memory_space<vmem>>, vector<16xi32>,
      }
      %scan3A_310 = arith.constant 25 : i32
      %dma_start3A_311 = arith.constant 0 : i32
      %dma_start3A_312 = tpu.memref_slice %arg5[%dma_start3A_311] : memref<1280000xf32, #tpu.memory_space<vmem_shared>> -> memref<1280000xf32, #tpu.memory_space<vmem_shared>>
      tpu.enqueue_indirect_dma source(%arg11 : memref<3200xf32, #tpu.memory_space<vmem>>) target(%dma_start3A_312 : memref<1280000xf32, #tpu.memory_space<vmem_shared>>) offsets(%arg7 : memref<3200xi32, #tpu.memory_space<vmem>>) semaphore(%arg24 : memref<!tpu.dma_semaphore, #tpu.memory_space<semaphore_mem>>) {add = true}
      %ge3A_313 = arith.constant 2 : i32
      %ge3A_314 = arith.cmpi sge, %add3A_298, %ge3A_313 : i32
      %convert_element_type3A_315 = arith.extui %ge3A_314 : i1 to i32
      %cond3A_316 = arith.constant 0 : i32
      %cond3A_317 = arith.cmpi ne, %convert_element_type3A_315, %cond3A_316 : i32
      scf.if %cond3A_317 {
        %dma_wait3A_381 = arith.constant 0 : i32
        %dma_wait3A_382 = tpu.memref_slice %arg5[%dma_wait3A_381] : memref<1280000xf32, #tpu.memory_space<vmem_shared>> -> memref<1280000xf32, #tpu.memory_space<vmem_shared>>
        tpu.wait_indirect_dma semaphore(%arg26 : memref<!tpu.dma_semaphore, #tpu.memory_space<semaphore_mem>>) src(%arg13 : memref<3200xf32, #tpu.memory_space<vmem>>) dst(%dma_wait3A_382 : memref<1280000xf32, #tpu.memory_space<vmem_shared>>)
      } else {
      }
      %add3A_318 = arith.constant 2 : i32
      %add3A_319 = arith.addi %add3A_298, %add3A_318 : i32
      %lt3A_320 = arith.constant 400 : i32
      %lt3A_321 = arith.cmpi slt, %add3A_319, %lt3A_320 : i32
      %convert_element_type3A_322 = arith.extui %lt3A_321 : i1 to i32
      %cond3A_323 = arith.constant 0 : i32
      %cond3A_324 = arith.cmpi ne, %convert_element_type3A_322, %cond3A_323 : i32
      scf.if %cond3A_324 {
        %add3A_381 = arith.constant 2 : i32
        %add3A_382 = arith.addi %add3A_298, %add3A_381 : i32
        %mul3A_383 = arith.constant 3200 : i32
        %mul3A_384 = arith.muli %add3A_382, %mul3A_383 : i32
        %add3A_385 = arith.addi %mul3A_2, %mul3A_384 : i32
        %dma_start3A_386 = tpu.memref_slice %arg2[%add3A_385] : memref<40960000xi32, #tpu.memory_space<hbm>> -> memref<3200xi32, #tpu.memory_space<hbm>>
        %dma_start3A_387 = tpu.memref_slice %arg2[%add3A_385] : memref<40960000xi32, #tpu.memory_space<hbm>> -> memref<3200xi32, #tpu.memory_space<hbm>>
        tpu.enqueue_dma source(%dma_start3A_387 : memref<3200xi32, #tpu.memory_space<hbm>>) target(%arg9 : memref<3200xi32, #tpu.memory_space<vmem>>) target_semaphore(%arg18 : memref<!tpu.dma_semaphore, #tpu.memory_space<semaphore_mem>>)
        %dma_start3A_388 = tpu.memref_slice %arg3[%add3A_385] : memref<40960000xf32, #tpu.memory_space<hbm>> -> memref<3200xf32, #tpu.memory_space<hbm>>
        %dma_start3A_389 = tpu.memref_slice %arg3[%add3A_385] : memref<40960000xf32, #tpu.memory_space<hbm>> -> memref<3200xf32, #tpu.memory_space<hbm>>
        tpu.enqueue_dma source(%dma_start3A_389 : memref<3200xf32, #tpu.memory_space<hbm>>) target(%arg13 : memref<3200xf32, #tpu.memory_space<vmem>>) target_semaphore(%arg22 : memref<!tpu.dma_semaphore, #tpu.memory_space<semaphore_mem>>)
      } else {
      }
      %add3A_325 = arith.constant 2 : i32
      %add3A_326 = arith.addi %add3A_272, %add3A_325 : i32
      %mul3A_327 = arith.constant 3200 : i32
      %mul3A_328 = arith.muli %add3A_326, %mul3A_327 : i32
      %add3A_329 = arith.addi %mul3A_2, %mul3A_328 : i32
      %dma_wait3A_330 = tpu.memref_slice %arg2[%add3A_329] : memref<40960000xi32, #tpu.memory_space<hbm>> -> memref<3200xi32, #tpu.memory_space<hbm>>
      %dma_wait3A_331 = tpu.memref_slice %arg2[%add3A_329] : memref<40960000xi32, #tpu.memory_space<hbm>> -> memref<3200xi32, #tpu.memory_space<hbm>>
      tpu.wait_dma2 semaphore(%arg17 : memref<!tpu.dma_semaphore, #tpu.memory_space<semaphore_mem>>) src(%dma_wait3A_331 : memref<3200xi32, #tpu.memory_space<hbm>>) dst(%arg8 : memref<3200xi32, #tpu.memory_space<vmem>>)
      %dma_wait3A_332 = tpu.memref_slice %arg3[%add3A_329] : memref<40960000xf32, #tpu.memory_space<hbm>> -> memref<3200xf32, #tpu.memory_space<hbm>>
      %dma_wait3A_333 = tpu.memref_slice %arg3[%add3A_329] : memref<40960000xf32, #tpu.memory_space<hbm>> -> memref<3200xf32, #tpu.memory_space<hbm>>
      tpu.wait_dma2 semaphore(%arg21 : memref<!tpu.dma_semaphore, #tpu.memory_space<semaphore_mem>>) src(%dma_wait3A_333 : memref<3200xf32, #tpu.memory_space<hbm>>) dst(%arg12 : memref<3200xf32, #tpu.memory_space<vmem>>)
      %scan3A_334 = arith.constant 0 : i32
      %scan3A_335 = arith.constant 25 : i32
      %scan3A_336 = arith.addi %scan3A_334, %scan3A_335 : i32
      %scan3A_337 = arith.constant 1 : i32
      scf.for %scan3A_381 = %scan3A_334 to %scan3A_336 step %scan3A_337  : i32 {
        %mul3A_382 = arith.constant 1 : i32
        %mul3A_383 = arith.muli %scan3A_381, %mul3A_382 : i32
        %add3A_384 = arith.constant 0 : i32
        %add3A_385 = arith.addi %add3A_384, %mul3A_383 : i32
        %mul3A_386 = arith.constant 128 : i32
        %mul3A_387 = arith.muli %add3A_385, %mul3A_386 : i32
        %add3A_388 = arith.constant 0 : i32
        %add3A_389 = arith.addi %mul3A_387, %add3A_388 : i32
        %get3A = arith.index_cast %add3A_389 : i32 to index
        %get3A_390 = tpu.vector_load %arg8[%get3A] {strides = array<i32>} : memref<3200xi32, #tpu.memory_space<vmem>>, vector<16xi32>,
        %shift_left3A = arith.constant 7 : i32
        %shift_left3A_391 = vector.broadcast %shift_left3A : i32 to vector<16xi32>
        %shift_left3A_392 = arith.shli %get3A_390, %shift_left3A_391 : vector<16xi32>
        %or3A = arith.ori %shift_left3A_392, %add3A_5 : vector<16xi32>
        %add3A_393 = arith.constant 0 : i32
        %add3A_394 = arith.addi %mul3A_387, %add3A_393 : i32
        %swap3A = arith.index_cast %add3A_394 : i32 to index
        %swap3A_395 = tpu.vector_load %arg8[%swap3A] {strides = array<i32>} : memref<3200xi32, #tpu.memory_space<vmem>>, vector<16xi32>,
        tpu.vector_store %arg8[%swap3A], %or3A {strides = array<i32>} : memref<3200xi32, #tpu.memory_space<vmem>>, vector<16xi32>,
        %add3A_396 = arith.constant 16 : i32
        %add3A_397 = arith.addi %mul3A_387, %add3A_396 : i32
        %get3A_398 = arith.index_cast %add3A_397 : i32 to index
        %get3A_399 = tpu.vector_load %arg8[%get3A_398] {strides = array<i32>} : memref<3200xi32, #tpu.memory_space<vmem>>, vector<16xi32>,
        %shift_left3A_400 = arith.constant 7 : i32
        %shift_left3A_401 = vector.broadcast %shift_left3A_400 : i32 to vector<16xi32>
        %shift_left3A_402 = arith.shli %get3A_399, %shift_left3A_401 : vector<16xi32>
        %or3A_403 = arith.ori %shift_left3A_402, %add3A_8 : vector<16xi32>
        %add3A_404 = arith.constant 16 : i32
        %add3A_405 = arith.addi %mul3A_387, %add3A_404 : i32
        %swap3A_406 = arith.index_cast %add3A_405 : i32 to index
        %swap3A_407 = tpu.vector_load %arg8[%swap3A_406] {strides = array<i32>} : memref<3200xi32, #tpu.memory_space<vmem>>, vector<16xi32>,
        tpu.vector_store %arg8[%swap3A_406], %or3A_403 {strides = array<i32>} : memref<3200xi32, #tpu.memory_space<vmem>>, vector<16xi32>,
        %add3A_408 = arith.constant 32 : i32
        %add3A_409 = arith.addi %mul3A_387, %add3A_408 : i32
        %get3A_410 = arith.index_cast %add3A_409 : i32 to index
        %get3A_411 = tpu.vector_load %arg8[%get3A_410] {strides = array<i32>} : memref<3200xi32, #tpu.memory_space<vmem>>, vector<16xi32>,
        %shift_left3A_412 = arith.constant 7 : i32
        %shift_left3A_413 = vector.broadcast %shift_left3A_412 : i32 to vector<16xi32>
        %shift_left3A_414 = arith.shli %get3A_411, %shift_left3A_413 : vector<16xi32>
        %or3A_415 = arith.ori %shift_left3A_414, %add3A_11 : vector<16xi32>
        %add3A_416 = arith.constant 32 : i32
        %add3A_417 = arith.addi %mul3A_387, %add3A_416 : i32
        %swap3A_418 = arith.index_cast %add3A_417 : i32 to index
        %swap3A_419 = tpu.vector_load %arg8[%swap3A_418] {strides = array<i32>} : memref<3200xi32, #tpu.memory_space<vmem>>, vector<16xi32>,
        tpu.vector_store %arg8[%swap3A_418], %or3A_415 {strides = array<i32>} : memref<3200xi32, #tpu.memory_space<vmem>>, vector<16xi32>,
        %add3A_420 = arith.constant 48 : i32
        %add3A_421 = arith.addi %mul3A_387, %add3A_420 : i32
        %get3A_422 = arith.index_cast %add3A_421 : i32 to index
        %get3A_423 = tpu.vector_load %arg8[%get3A_422] {strides = array<i32>} : memref<3200xi32, #tpu.memory_space<vmem>>, vector<16xi32>,
        %shift_left3A_424 = arith.constant 7 : i32
        %shift_left3A_425 = vector.broadcast %shift_left3A_424 : i32 to vector<16xi32>
        %shift_left3A_426 = arith.shli %get3A_423, %shift_left3A_425 : vector<16xi32>
        %or3A_427 = arith.ori %shift_left3A_426, %add3A_14 : vector<16xi32>
        %add3A_428 = arith.constant 48 : i32
        %add3A_429 = arith.addi %mul3A_387, %add3A_428 : i32
        %swap3A_430 = arith.index_cast %add3A_429 : i32 to index
        %swap3A_431 = tpu.vector_load %arg8[%swap3A_430] {strides = array<i32>} : memref<3200xi32, #tpu.memory_space<vmem>>, vector<16xi32>,
        tpu.vector_store %arg8[%swap3A_430], %or3A_427 {strides = array<i32>} : memref<3200xi32, #tpu.memory_space<vmem>>, vector<16xi32>,
        %add3A_432 = arith.constant 64 : i32
        %add3A_433 = arith.addi %mul3A_387, %add3A_432 : i32
        %get3A_434 = arith.index_cast %add3A_433 : i32 to index
        %get3A_435 = tpu.vector_load %arg8[%get3A_434] {strides = array<i32>} : memref<3200xi32, #tpu.memory_space<vmem>>, vector<16xi32>,
        %shift_left3A_436 = arith.constant 7 : i32
        %shift_left3A_437 = vector.broadcast %shift_left3A_436 : i32 to vector<16xi32>
        %shift_left3A_438 = arith.shli %get3A_435, %shift_left3A_437 : vector<16xi32>
        %or3A_439 = arith.ori %shift_left3A_438, %add3A_17 : vector<16xi32>
        %add3A_440 = arith.constant 64 : i32
        %add3A_441 = arith.addi %mul3A_387, %add3A_440 : i32
        %swap3A_442 = arith.index_cast %add3A_441 : i32 to index
        %swap3A_443 = tpu.vector_load %arg8[%swap3A_442] {strides = array<i32>} : memref<3200xi32, #tpu.memory_space<vmem>>, vector<16xi32>,
        tpu.vector_store %arg8[%swap3A_442], %or3A_439 {strides = array<i32>} : memref<3200xi32, #tpu.memory_space<vmem>>, vector<16xi32>,
        %add3A_444 = arith.constant 80 : i32
        %add3A_445 = arith.addi %mul3A_387, %add3A_444 : i32
        %get3A_446 = arith.index_cast %add3A_445 : i32 to index
        %get3A_447 = tpu.vector_load %arg8[%get3A_446] {strides = array<i32>} : memref<3200xi32, #tpu.memory_space<vmem>>, vector<16xi32>,
        %shift_left3A_448 = arith.constant 7 : i32
        %shift_left3A_449 = vector.broadcast %shift_left3A_448 : i32 to vector<16xi32>
        %shift_left3A_450 = arith.shli %get3A_447, %shift_left3A_449 : vector<16xi32>
        %or3A_451 = arith.ori %shift_left3A_450, %add3A_20 : vector<16xi32>
        %add3A_452 = arith.constant 80 : i32
        %add3A_453 = arith.addi %mul3A_387, %add3A_452 : i32
        %swap3A_454 = arith.index_cast %add3A_453 : i32 to index
        %swap3A_455 = tpu.vector_load %arg8[%swap3A_454] {strides = array<i32>} : memref<3200xi32, #tpu.memory_space<vmem>>, vector<16xi32>,
        tpu.vector_store %arg8[%swap3A_454], %or3A_451 {strides = array<i32>} : memref<3200xi32, #tpu.memory_space<vmem>>, vector<16xi32>,
        %add3A_456 = arith.constant 96 : i32
        %add3A_457 = arith.addi %mul3A_387, %add3A_456 : i32
        %get3A_458 = arith.index_cast %add3A_457 : i32 to index
        %get3A_459 = tpu.vector_load %arg8[%get3A_458] {strides = array<i32>} : memref<3200xi32, #tpu.memory_space<vmem>>, vector<16xi32>,
        %shift_left3A_460 = arith.constant 7 : i32
        %shift_left3A_461 = vector.broadcast %shift_left3A_460 : i32 to vector<16xi32>
        %shift_left3A_462 = arith.shli %get3A_459, %shift_left3A_461 : vector<16xi32>
        %or3A_463 = arith.ori %shift_left3A_462, %add3A_23 : vector<16xi32>
        %add3A_464 = arith.constant 96 : i32
        %add3A_465 = arith.addi %mul3A_387, %add3A_464 : i32
        %swap3A_466 = arith.index_cast %add3A_465 : i32 to index
        %swap3A_467 = tpu.vector_load %arg8[%swap3A_466] {strides = array<i32>} : memref<3200xi32, #tpu.memory_space<vmem>>, vector<16xi32>,
        tpu.vector_store %arg8[%swap3A_466], %or3A_463 {strides = array<i32>} : memref<3200xi32, #tpu.memory_space<vmem>>, vector<16xi32>,
        %add3A_468 = arith.constant 112 : i32
        %add3A_469 = arith.addi %mul3A_387, %add3A_468 : i32
        %get3A_470 = arith.index_cast %add3A_469 : i32 to index
        %get3A_471 = tpu.vector_load %arg8[%get3A_470] {strides = array<i32>} : memref<3200xi32, #tpu.memory_space<vmem>>, vector<16xi32>,
        %shift_left3A_472 = arith.constant 7 : i32
        %shift_left3A_473 = vector.broadcast %shift_left3A_472 : i32 to vector<16xi32>
        %shift_left3A_474 = arith.shli %get3A_471, %shift_left3A_473 : vector<16xi32>
        %or3A_475 = arith.ori %shift_left3A_474, %add3A_26 : vector<16xi32>
        %add3A_476 = arith.constant 112 : i32
        %add3A_477 = arith.addi %mul3A_387, %add3A_476 : i32
        %swap3A_478 = arith.index_cast %add3A_477 : i32 to index
        %swap3A_479 = tpu.vector_load %arg8[%swap3A_478] {strides = array<i32>} : memref<3200xi32, #tpu.memory_space<vmem>>, vector<16xi32>,
        tpu.vector_store %arg8[%swap3A_478], %or3A_475 {strides = array<i32>} : memref<3200xi32, #tpu.memory_space<vmem>>, vector<16xi32>,
      }
      %scan3A_338 = arith.constant 25 : i32
      %dma_start3A_339 = arith.constant 0 : i32
      %dma_start3A_340 = tpu.memref_slice %arg5[%dma_start3A_339] : memref<1280000xf32, #tpu.memory_space<vmem_shared>> -> memref<1280000xf32, #tpu.memory_space<vmem_shared>>
      tpu.enqueue_indirect_dma source(%arg12 : memref<3200xf32, #tpu.memory_space<vmem>>) target(%dma_start3A_340 : memref<1280000xf32, #tpu.memory_space<vmem_shared>>) offsets(%arg8 : memref<3200xi32, #tpu.memory_space<vmem>>) semaphore(%arg25 : memref<!tpu.dma_semaphore, #tpu.memory_space<semaphore_mem>>) {add = true}
      %ge3A_341 = arith.constant 2 : i32
      %ge3A_342 = arith.cmpi sge, %add3A_326, %ge3A_341 : i32
      %convert_element_type3A_343 = arith.extui %ge3A_342 : i1 to i32
      %cond3A_344 = arith.constant 0 : i32
      %cond3A_345 = arith.cmpi ne, %convert_element_type3A_343, %cond3A_344 : i32
      scf.if %cond3A_345 {
        %dma_wait3A_381 = arith.constant 0 : i32
        %dma_wait3A_382 = tpu.memref_slice %arg5[%dma_wait3A_381] : memref<1280000xf32, #tpu.memory_space<vmem_shared>> -> memref<1280000xf32, #tpu.memory_space<vmem_shared>>
        tpu.wait_indirect_dma semaphore(%arg23 : memref<!tpu.dma_semaphore, #tpu.memory_space<semaphore_mem>>) src(%arg10 : memref<3200xf32, #tpu.memory_space<vmem>>) dst(%dma_wait3A_382 : memref<1280000xf32, #tpu.memory_space<vmem_shared>>)
      } else {
      }
      %add3A_346 = arith.constant 2 : i32
      %add3A_347 = arith.addi %add3A_326, %add3A_346 : i32
      %lt3A_348 = arith.constant 400 : i32
      %lt3A_349 = arith.cmpi slt, %add3A_347, %lt3A_348 : i32
      %convert_element_type3A_350 = arith.extui %lt3A_349 : i1 to i32
      %cond3A_351 = arith.constant 0 : i32
      %cond3A_352 = arith.cmpi ne, %convert_element_type3A_350, %cond3A_351 : i32
      scf.if %cond3A_352 {
        %add3A_381 = arith.constant 2 : i32
        %add3A_382 = arith.addi %add3A_326, %add3A_381 : i32
        %mul3A_383 = arith.constant 3200 : i32
        %mul3A_384 = arith.muli %add3A_382, %mul3A_383 : i32
        %add3A_385 = arith.addi %mul3A_2, %mul3A_384 : i32
        %dma_start3A_386 = tpu.memref_slice %arg2[%add3A_385] : memref<40960000xi32, #tpu.memory_space<hbm>> -> memref<3200xi32, #tpu.memory_space<hbm>>
        %dma_start3A_387 = tpu.memref_slice %arg2[%add3A_385] : memref<40960000xi32, #tpu.memory_space<hbm>> -> memref<3200xi32, #tpu.memory_space<hbm>>
        tpu.enqueue_dma source(%dma_start3A_387 : memref<3200xi32, #tpu.memory_space<hbm>>) target(%arg6 : memref<3200xi32, #tpu.memory_space<vmem>>) target_semaphore(%arg15 : memref<!tpu.dma_semaphore, #tpu.memory_space<semaphore_mem>>)
        %dma_start3A_388 = tpu.memref_slice %arg3[%add3A_385] : memref<40960000xf32, #tpu.memory_space<hbm>> -> memref<3200xf32, #tpu.memory_space<hbm>>
        %dma_start3A_389 = tpu.memref_slice %arg3[%add3A_385] : memref<40960000xf32, #tpu.memory_space<hbm>> -> memref<3200xf32, #tpu.memory_space<hbm>>
        tpu.enqueue_dma source(%dma_start3A_389 : memref<3200xf32, #tpu.memory_space<hbm>>) target(%arg10 : memref<3200xf32, #tpu.memory_space<vmem>>) target_semaphore(%arg19 : memref<!tpu.dma_semaphore, #tpu.memory_space<semaphore_mem>>)
      } else {
      }
      %add3A_353 = arith.constant 3 : i32
      %add3A_354 = arith.addi %add3A_272, %add3A_353 : i32
      %mul3A_355 = arith.constant 3200 : i32
      %mul3A_356 = arith.muli %add3A_354, %mul3A_355 : i32
      %add3A_357 = arith.addi %mul3A_2, %mul3A_356 : i32
      %dma_wait3A_358 = tpu.memref_slice %arg2[%add3A_357] : memref<40960000xi32, #tpu.memory_space<hbm>> -> memref<3200xi32, #tpu.memory_space<hbm>>
      %dma_wait3A_359 = tpu.memref_slice %arg2[%add3A_357] : memref<40960000xi32, #tpu.memory_space<hbm>> -> memref<3200xi32, #tpu.memory_space<hbm>>
      tpu.wait_dma2 semaphore(%arg18 : memref<!tpu.dma_semaphore, #tpu.memory_space<semaphore_mem>>) src(%dma_wait3A_359 : memref<3200xi32, #tpu.memory_space<hbm>>) dst(%arg9 : memref<3200xi32, #tpu.memory_space<vmem>>)
      %dma_wait3A_360 = tpu.memref_slice %arg3[%add3A_357] : memref<40960000xf32, #tpu.memory_space<hbm>> -> memref<3200xf32, #tpu.memory_space<hbm>>
      %dma_wait3A_361 = tpu.memref_slice %arg3[%add3A_357] : memref<40960000xf32, #tpu.memory_space<hbm>> -> memref<3200xf32, #tpu.memory_space<hbm>>
      tpu.wait_dma2 semaphore(%arg22 : memref<!tpu.dma_semaphore, #tpu.memory_space<semaphore_mem>>) src(%dma_wait3A_361 : memref<3200xf32, #tpu.memory_space<hbm>>) dst(%arg13 : memref<3200xf32, #tpu.memory_space<vmem>>)
      %scan3A_362 = arith.constant 0 : i32
      %scan3A_363 = arith.constant 25 : i32
      %scan3A_364 = arith.addi %scan3A_362, %scan3A_363 : i32
      %scan3A_365 = arith.constant 1 : i32
      scf.for %scan3A_381 = %scan3A_362 to %scan3A_364 step %scan3A_365  : i32 {
        %mul3A_382 = arith.constant 1 : i32
        %mul3A_383 = arith.muli %scan3A_381, %mul3A_382 : i32
        %add3A_384 = arith.constant 0 : i32
        %add3A_385 = arith.addi %add3A_384, %mul3A_383 : i32
        %mul3A_386 = arith.constant 128 : i32
        %mul3A_387 = arith.muli %add3A_385, %mul3A_386 : i32
        %add3A_388 = arith.constant 0 : i32
        %add3A_389 = arith.addi %mul3A_387, %add3A_388 : i32
        %get3A = arith.index_cast %add3A_389 : i32 to index
        %get3A_390 = tpu.vector_load %arg9[%get3A] {strides = array<i32>} : memref<3200xi32, #tpu.memory_space<vmem>>, vector<16xi32>,
        %shift_left3A = arith.constant 7 : i32
        %shift_left3A_391 = vector.broadcast %shift_left3A : i32 to vector<16xi32>
        %shift_left3A_392 = arith.shli %get3A_390, %shift_left3A_391 : vector<16xi32>
        %or3A = arith.ori %shift_left3A_392, %add3A_5 : vector<16xi32>
        %add3A_393 = arith.constant 0 : i32
        %add3A_394 = arith.addi %mul3A_387, %add3A_393 : i32
        %swap3A = arith.index_cast %add3A_394 : i32 to index
        %swap3A_395 = tpu.vector_load %arg9[%swap3A] {strides = array<i32>} : memref<3200xi32, #tpu.memory_space<vmem>>, vector<16xi32>,
        tpu.vector_store %arg9[%swap3A], %or3A {strides = array<i32>} : memref<3200xi32, #tpu.memory_space<vmem>>, vector<16xi32>,
        %add3A_396 = arith.constant 16 : i32
        %add3A_397 = arith.addi %mul3A_387, %add3A_396 : i32
        %get3A_398 = arith.index_cast %add3A_397 : i32 to index
        %get3A_399 = tpu.vector_load %arg9[%get3A_398] {strides = array<i32>} : memref<3200xi32, #tpu.memory_space<vmem>>, vector<16xi32>,
        %shift_left3A_400 = arith.constant 7 : i32
        %shift_left3A_401 = vector.broadcast %shift_left3A_400 : i32 to vector<16xi32>
        %shift_left3A_402 = arith.shli %get3A_399, %shift_left3A_401 : vector<16xi32>
        %or3A_403 = arith.ori %shift_left3A_402, %add3A_8 : vector<16xi32>
        %add3A_404 = arith.constant 16 : i32
        %add3A_405 = arith.addi %mul3A_387, %add3A_404 : i32
        %swap3A_406 = arith.index_cast %add3A_405 : i32 to index
        %swap3A_407 = tpu.vector_load %arg9[%swap3A_406] {strides = array<i32>} : memref<3200xi32, #tpu.memory_space<vmem>>, vector<16xi32>,
        tpu.vector_store %arg9[%swap3A_406], %or3A_403 {strides = array<i32>} : memref<3200xi32, #tpu.memory_space<vmem>>, vector<16xi32>,
        %add3A_408 = arith.constant 32 : i32
        %add3A_409 = arith.addi %mul3A_387, %add3A_408 : i32
        %get3A_410 = arith.index_cast %add3A_409 : i32 to index
        %get3A_411 = tpu.vector_load %arg9[%get3A_410] {strides = array<i32>} : memref<3200xi32, #tpu.memory_space<vmem>>, vector<16xi32>,
        %shift_left3A_412 = arith.constant 7 : i32
        %shift_left3A_413 = vector.broadcast %shift_left3A_412 : i32 to vector<16xi32>
        %shift_left3A_414 = arith.shli %get3A_411, %shift_left3A_413 : vector<16xi32>
        %or3A_415 = arith.ori %shift_left3A_414, %add3A_11 : vector<16xi32>
        %add3A_416 = arith.constant 32 : i32
        %add3A_417 = arith.addi %mul3A_387, %add3A_416 : i32
        %swap3A_418 = arith.index_cast %add3A_417 : i32 to index
        %swap3A_419 = tpu.vector_load %arg9[%swap3A_418] {strides = array<i32>} : memref<3200xi32, #tpu.memory_space<vmem>>, vector<16xi32>,
        tpu.vector_store %arg9[%swap3A_418], %or3A_415 {strides = array<i32>} : memref<3200xi32, #tpu.memory_space<vmem>>, vector<16xi32>,
        %add3A_420 = arith.constant 48 : i32
        %add3A_421 = arith.addi %mul3A_387, %add3A_420 : i32
        %get3A_422 = arith.index_cast %add3A_421 : i32 to index
        %get3A_423 = tpu.vector_load %arg9[%get3A_422] {strides = array<i32>} : memref<3200xi32, #tpu.memory_space<vmem>>, vector<16xi32>,
        %shift_left3A_424 = arith.constant 7 : i32
        %shift_left3A_425 = vector.broadcast %shift_left3A_424 : i32 to vector<16xi32>
        %shift_left3A_426 = arith.shli %get3A_423, %shift_left3A_425 : vector<16xi32>
        %or3A_427 = arith.ori %shift_left3A_426, %add3A_14 : vector<16xi32>
        %add3A_428 = arith.constant 48 : i32
        %add3A_429 = arith.addi %mul3A_387, %add3A_428 : i32
        %swap3A_430 = arith.index_cast %add3A_429 : i32 to index
        %swap3A_431 = tpu.vector_load %arg9[%swap3A_430] {strides = array<i32>} : memref<3200xi32, #tpu.memory_space<vmem>>, vector<16xi32>,
        tpu.vector_store %arg9[%swap3A_430], %or3A_427 {strides = array<i32>} : memref<3200xi32, #tpu.memory_space<vmem>>, vector<16xi32>,
        %add3A_432 = arith.constant 64 : i32
        %add3A_433 = arith.addi %mul3A_387, %add3A_432 : i32
        %get3A_434 = arith.index_cast %add3A_433 : i32 to index
        %get3A_435 = tpu.vector_load %arg9[%get3A_434] {strides = array<i32>} : memref<3200xi32, #tpu.memory_space<vmem>>, vector<16xi32>,
        %shift_left3A_436 = arith.constant 7 : i32
        %shift_left3A_437 = vector.broadcast %shift_left3A_436 : i32 to vector<16xi32>
        %shift_left3A_438 = arith.shli %get3A_435, %shift_left3A_437 : vector<16xi32>
        %or3A_439 = arith.ori %shift_left3A_438, %add3A_17 : vector<16xi32>
        %add3A_440 = arith.constant 64 : i32
        %add3A_441 = arith.addi %mul3A_387, %add3A_440 : i32
        %swap3A_442 = arith.index_cast %add3A_441 : i32 to index
        %swap3A_443 = tpu.vector_load %arg9[%swap3A_442] {strides = array<i32>} : memref<3200xi32, #tpu.memory_space<vmem>>, vector<16xi32>,
        tpu.vector_store %arg9[%swap3A_442], %or3A_439 {strides = array<i32>} : memref<3200xi32, #tpu.memory_space<vmem>>, vector<16xi32>,
        %add3A_444 = arith.constant 80 : i32
        %add3A_445 = arith.addi %mul3A_387, %add3A_444 : i32
        %get3A_446 = arith.index_cast %add3A_445 : i32 to index
        %get3A_447 = tpu.vector_load %arg9[%get3A_446] {strides = array<i32>} : memref<3200xi32, #tpu.memory_space<vmem>>, vector<16xi32>,
        %shift_left3A_448 = arith.constant 7 : i32
        %shift_left3A_449 = vector.broadcast %shift_left3A_448 : i32 to vector<16xi32>
        %shift_left3A_450 = arith.shli %get3A_447, %shift_left3A_449 : vector<16xi32>
        %or3A_451 = arith.ori %shift_left3A_450, %add3A_20 : vector<16xi32>
        %add3A_452 = arith.constant 80 : i32
        %add3A_453 = arith.addi %mul3A_387, %add3A_452 : i32
        %swap3A_454 = arith.index_cast %add3A_453 : i32 to index
        %swap3A_455 = tpu.vector_load %arg9[%swap3A_454] {strides = array<i32>} : memref<3200xi32, #tpu.memory_space<vmem>>, vector<16xi32>,
        tpu.vector_store %arg9[%swap3A_454], %or3A_451 {strides = array<i32>} : memref<3200xi32, #tpu.memory_space<vmem>>, vector<16xi32>,
        %add3A_456 = arith.constant 96 : i32
        %add3A_457 = arith.addi %mul3A_387, %add3A_456 : i32
        %get3A_458 = arith.index_cast %add3A_457 : i32 to index
        %get3A_459 = tpu.vector_load %arg9[%get3A_458] {strides = array<i32>} : memref<3200xi32, #tpu.memory_space<vmem>>, vector<16xi32>,
        %shift_left3A_460 = arith.constant 7 : i32
        %shift_left3A_461 = vector.broadcast %shift_left3A_460 : i32 to vector<16xi32>
        %shift_left3A_462 = arith.shli %get3A_459, %shift_left3A_461 : vector<16xi32>
        %or3A_463 = arith.ori %shift_left3A_462, %add3A_23 : vector<16xi32>
        %add3A_464 = arith.constant 96 : i32
        %add3A_465 = arith.addi %mul3A_387, %add3A_464 : i32
        %swap3A_466 = arith.index_cast %add3A_465 : i32 to index
        %swap3A_467 = tpu.vector_load %arg9[%swap3A_466] {strides = array<i32>} : memref<3200xi32, #tpu.memory_space<vmem>>, vector<16xi32>,
        tpu.vector_store %arg9[%swap3A_466], %or3A_463 {strides = array<i32>} : memref<3200xi32, #tpu.memory_space<vmem>>, vector<16xi32>,
        %add3A_468 = arith.constant 112 : i32
        %add3A_469 = arith.addi %mul3A_387, %add3A_468 : i32
        %get3A_470 = arith.index_cast %add3A_469 : i32 to index
        %get3A_471 = tpu.vector_load %arg9[%get3A_470] {strides = array<i32>} : memref<3200xi32, #tpu.memory_space<vmem>>, vector<16xi32>,
        %shift_left3A_472 = arith.constant 7 : i32
        %shift_left3A_473 = vector.broadcast %shift_left3A_472 : i32 to vector<16xi32>
        %shift_left3A_474 = arith.shli %get3A_471, %shift_left3A_473 : vector<16xi32>
        %or3A_475 = arith.ori %shift_left3A_474, %add3A_26 : vector<16xi32>
        %add3A_476 = arith.constant 112 : i32
        %add3A_477 = arith.addi %mul3A_387, %add3A_476 : i32
        %swap3A_478 = arith.index_cast %add3A_477 : i32 to index
        %swap3A_479 = tpu.vector_load %arg9[%swap3A_478] {strides = array<i32>} : memref<3200xi32, #tpu.memory_space<vmem>>, vector<16xi32>,
        tpu.vector_store %arg9[%swap3A_478], %or3A_475 {strides = array<i32>} : memref<3200xi32, #tpu.memory_space<vmem>>, vector<16xi32>,
      }
      %scan3A_366 = arith.constant 25 : i32
      %dma_start3A_367 = arith.constant 0 : i32
      %dma_start3A_368 = tpu.memref_slice %arg5[%dma_start3A_367] : memref<1280000xf32, #tpu.memory_space<vmem_shared>> -> memref<1280000xf32, #tpu.memory_space<vmem_shared>>
      tpu.enqueue_indirect_dma source(%arg13 : memref<3200xf32, #tpu.memory_space<vmem>>) target(%dma_start3A_368 : memref<1280000xf32, #tpu.memory_space<vmem_shared>>) offsets(%arg9 : memref<3200xi32, #tpu.memory_space<vmem>>) semaphore(%arg26 : memref<!tpu.dma_semaphore, #tpu.memory_space<semaphore_mem>>) {add = true}
      %ge3A_369 = arith.constant 2 : i32
      %ge3A_370 = arith.cmpi sge, %add3A_354, %ge3A_369 : i32
      %convert_element_type3A_371 = arith.extui %ge3A_370 : i1 to i32
      %cond3A_372 = arith.constant 0 : i32
      %cond3A_373 = arith.cmpi ne, %convert_element_type3A_371, %cond3A_372 : i32
      scf.if %cond3A_373 {
        %dma_wait3A_381 = arith.constant 0 : i32
        %dma_wait3A_382 = tpu.memref_slice %arg5[%dma_wait3A_381] : memref<1280000xf32, #tpu.memory_space<vmem_shared>> -> memref<1280000xf32, #tpu.memory_space<vmem_shared>>
        tpu.wait_indirect_dma semaphore(%arg24 : memref<!tpu.dma_semaphore, #tpu.memory_space<semaphore_mem>>) src(%arg11 : memref<3200xf32, #tpu.memory_space<vmem>>) dst(%dma_wait3A_382 : memref<1280000xf32, #tpu.memory_space<vmem_shared>>)
      } else {
      }
      %add3A_374 = arith.constant 2 : i32
      %add3A_375 = arith.addi %add3A_354, %add3A_374 : i32
      %lt3A_376 = arith.constant 400 : i32
      %lt3A_377 = arith.cmpi slt, %add3A_375, %lt3A_376 : i32
      %convert_element_type3A_378 = arith.extui %lt3A_377 : i1 to i32
      %cond3A_379 = arith.constant 0 : i32
      %cond3A_380 = arith.cmpi ne, %convert_element_type3A_378, %cond3A_379 : i32
      scf.if %cond3A_380 {
        %add3A_381 = arith.constant 2 : i32
        %add3A_382 = arith.addi %add3A_354, %add3A_381 : i32
        %mul3A_383 = arith.constant 3200 : i32
        %mul3A_384 = arith.muli %add3A_382, %mul3A_383 : i32
        %add3A_385 = arith.addi %mul3A_2, %mul3A_384 : i32
        %dma_start3A_386 = tpu.memref_slice %arg2[%add3A_385] : memref<40960000xi32, #tpu.memory_space<hbm>> -> memref<3200xi32, #tpu.memory_space<hbm>>
        %dma_start3A_387 = tpu.memref_slice %arg2[%add3A_385] : memref<40960000xi32, #tpu.memory_space<hbm>> -> memref<3200xi32, #tpu.memory_space<hbm>>
        tpu.enqueue_dma source(%dma_start3A_387 : memref<3200xi32, #tpu.memory_space<hbm>>) target(%arg7 : memref<3200xi32, #tpu.memory_space<vmem>>) target_semaphore(%arg16 : memref<!tpu.dma_semaphore, #tpu.memory_space<semaphore_mem>>)
        %dma_start3A_388 = tpu.memref_slice %arg3[%add3A_385] : memref<40960000xf32, #tpu.memory_space<hbm>> -> memref<3200xf32, #tpu.memory_space<hbm>>
        %dma_start3A_389 = tpu.memref_slice %arg3[%add3A_385] : memref<40960000xf32, #tpu.memory_space<hbm>> -> memref<3200xf32, #tpu.memory_space<hbm>>
        tpu.enqueue_dma source(%dma_start3A_389 : memref<3200xf32, #tpu.memory_space<hbm>>) target(%arg11 : memref<3200xf32, #tpu.memory_space<vmem>>) target_semaphore(%arg20 : memref<!tpu.dma_semaphore, #tpu.memory_space<semaphore_mem>>)
      } else {
      }
    }
    %scan3A_248 = arith.constant 100 : i32
    %dma_wait3A_249 = arith.constant 0 : i32
    %dma_wait3A_250 = tpu.memref_slice %arg5[%dma_wait3A_249] : memref<1280000xf32, #tpu.memory_space<vmem_shared>> -> memref<1280000xf32, #tpu.memory_space<vmem_shared>>
    tpu.wait_indirect_dma semaphore(%arg25 : memref<!tpu.dma_semaphore, #tpu.memory_space<semaphore_mem>>) src(%arg12 : memref<3200xf32, #tpu.memory_space<vmem>>) dst(%dma_wait3A_250 : memref<1280000xf32, #tpu.memory_space<vmem_shared>>)
    %dma_wait3A_251 = arith.constant 0 : i32
    %dma_wait3A_252 = tpu.memref_slice %arg5[%dma_wait3A_251] : memref<1280000xf32, #tpu.memory_space<vmem_shared>> -> memref<1280000xf32, #tpu.memory_space<vmem_shared>>
    tpu.wait_indirect_dma semaphore(%arg26 : memref<!tpu.dma_semaphore, #tpu.memory_space<semaphore_mem>>) src(%arg13 : memref<3200xf32, #tpu.memory_space<vmem>>) dst(%dma_wait3A_252 : memref<1280000xf32, #tpu.memory_space<vmem_shared>>)
    %barrier3A_253 = arith.constant 0 : index
    tpu.barrier barrier_id(%barrier3A_253)
    %mul3A_254 = arith.constant 80000 : i32
    %mul3A_255 = arith.muli %arg1, %mul3A_254 : i32
    %mul3A_256 = arith.constant 80000 : i32
    %mul3A_257 = arith.muli %arg1, %mul3A_256 : i32
    %dma_start3A_258 = tpu.memref_slice %arg4[%arg0, %mul3A_257] : memref<2x1280000xf32, #tpu.memory_space<hbm>> -> memref<1x80000xf32, #tpu.memory_space<hbm>>
    %dma_start3A_259 = tpu.memref_squeeze %dma_start3A_258 : memref<1x80000xf32, #tpu.memory_space<hbm>> -> memref<80000xf32, #tpu.memory_space<hbm>>
    %dma_start3A_260 = tpu.memref_slice %arg5[%mul3A_255] : memref<1280000xf32, #tpu.memory_space<vmem_shared>> -> memref<80000xf32, #tpu.memory_space<vmem_shared>>
    tpu.enqueue_dma source(%dma_start3A_260 : memref<80000xf32, #tpu.memory_space<vmem_shared>>) target(%dma_start3A_259 : memref<80000xf32, #tpu.memory_space<hbm>>) target_semaphore(%arg27 : memref<!tpu.dma_semaphore, #tpu.memory_space<semaphore_mem>>)
    %mul3A_261 = arith.constant 80000 : i32
    %mul3A_262 = arith.muli %arg1, %mul3A_261 : i32
    %mul3A_263 = arith.constant 80000 : i32
    %mul3A_264 = arith.muli %arg1, %mul3A_263 : i32
    %dma_wait3A_265 = tpu.memref_slice %arg4[%arg0, %mul3A_264] : memref<2x1280000xf32, #tpu.memory_space<hbm>> -> memref<1x80000xf32, #tpu.memory_space<hbm>>
    %dma_wait3A_266 = tpu.memref_squeeze %dma_wait3A_265 : memref<1x80000xf32, #tpu.memory_space<hbm>> -> memref<80000xf32, #tpu.memory_space<hbm>>
    %dma_wait3A_267 = tpu.memref_slice %arg5[%mul3A_262] : memref<1280000xf32, #tpu.memory_space<vmem_shared>> -> memref<80000xf32, #tpu.memory_space<vmem_shared>>
    tpu.wait_dma2 semaphore(%arg27 : memref<!tpu.dma_semaphore, #tpu.memory_space<semaphore_mem>>) src(%dma_wait3A_267 : memref<80000xf32, #tpu.memory_space<vmem_shared>>) dst(%dma_wait3A_266 : memref<80000xf32, #tpu.memory_space<hbm>>)
    return
  }
}

module attributes {stable_mosaic.version = 14 : i64} {
  func.func @body(%arg0: i32, %arg1: memref<1000x128xf32, #tpu.memory_space<vmem>>, %arg2: memref<2x1000x128xf32, #tpu.memory_space<vmem>>, %arg3: memref<1000x128xf32, #tpu.memory_space<vmem>>) attributes {dimension_semantics = [#tpu.dimension_semantics<arbitrary>], iteration_bounds = array<i64: 10>, scalar_prefetch = 0 : i64, scratch_operands = 0 : i64, tpu.core_type = #tpu.core_type<tc>, window_params = [{transform_indices = @transform_0, window_bounds = array<i64: 1000, 128>}, {transform_indices = @transform_1, window_bounds = array<i64: 2, 1000, 128>}, {transform_indices = @transform_2, window_bounds = array<i64: 1000, 128>}]} {
    %get3A = arith.constant 0 : index
    %get3A_0 = arith.constant 0 : index
    %get3A_1 = vector.load %arg1[%get3A, %get3A_0] : memref<1000x128xf32, #tpu.memory_space<vmem>>, vector<1000x128xf32>
    %get3A_2 = arith.constant 0 : index
    %get3A_3 = arith.constant 0 : index
    %get3A_4 = arith.constant 0 : index
    %get3A_5 = vector.load %arg2[%get3A_2, %get3A_3, %get3A_4] : memref<2x1000x128xf32, #tpu.memory_space<vmem>>, vector<1x1000x128xf32>
    %get3A_6 = vector.shape_cast %get3A_5 : vector<1x1000x128xf32> to vector<1000x128xf32>
    %add3A = arith.addf %get3A_1, %get3A_6 : vector<1000x128xf32>
    %get3A_7 = arith.constant 1 : index
    %get3A_8 = arith.constant 0 : index
    %get3A_9 = arith.constant 0 : index
    %get3A_10 = vector.load %arg2[%get3A_7, %get3A_8, %get3A_9] : memref<2x1000x128xf32, #tpu.memory_space<vmem>>, vector<1x1000x128xf32>
    %get3A_11 = vector.shape_cast %get3A_10 : vector<1x1000x128xf32> to vector<1000x128xf32>
    %add3A_12 = arith.addf %add3A, %get3A_11 : vector<1000x128xf32>
    %swap3A = arith.constant 0 : index
    %swap3A_13 = arith.constant 0 : index
    %swap3A_14 = vector.load %arg3[%swap3A, %swap3A_13] : memref<1000x128xf32, #tpu.memory_space<vmem>>, vector<1000x128xf32>
    tpu.vector_store %arg3[%swap3A, %swap3A_13], %add3A_12 {strides = array<i32>} : memref<1000x128xf32, #tpu.memory_space<vmem>>, vector<1000x128xf32>,
    return
  }
  func.func @transform_0(%arg0: i32) -> (i32, i32) {
    %c0_i32 = arith.constant 0 : i32
    %c0_i32_0 = arith.constant 0 : i32
    return %arg0, %c0_i32 : i32, i32
  }
  func.func @transform_1(%arg0: i32) -> (i32, i32, i32) {
    %c0_i32 = arith.constant 0 : i32
    %c0_i32_0 = arith.constant 0 : i32
    %c0_i32_1 = arith.constant 0 : i32
    return %c0_i32, %arg0, %c0_i32_0 : i32, i32, i32
  }
  func.func @transform_2(%arg0: i32) -> (i32, i32) {
    %c0_i32 = arith.constant 0 : i32
    %c0_i32_0 = arith.constant 0 : i32
    return %arg0, %c0_i32 : i32, i32
  }
}

</mosaic_0001>

<sc_bundles>
// kernel: kernel.4.cloned.1.call-start
scs
__scs_entry_jumppad:
0x0: {  	(pc) =	sbr.rel $0x88, $3  }
0x1: {  	(tag) =	ssettag $0x0;
	lr =	simm.s32 $0x1  }
0x2: {  	[smem:$0x3F9E] =	sst lr;
	_ =	strace $0xD0000000  }
0x3: {  	_ = 	snop  }
0x4: {  	_ = 	snop  }
0x5: {  	_ = 	snop  }
0x6: {  	_ = 	snop  }
0x7: {  	_ = 	snop  }
__scs_overlays_trampoline_lowered:
0x8: {  	[smem:$0x3FAD] =	sst s0  }
0x9: {  	[smem:$0x3FAE] =	sst s1  }
0xa: {  	[smem:$0x3FAF] =	sst s2  }
0xb: {  	[smem:$0x3FB0] =	sst s3  }
0xc: {  	[smem:$0x3FB1] =	sst s4  }
0xd: {  	[smem:$0x3FB2] =	sst s5  }
0xe: {  	[smem:$0x3FB3] =	sst s6  }
0xf: {  	[smem:$0x3FB4] =	sst s7  }
0x10: {  	[smem:$0x3FB5] =	sst s8  }
0x11: {  	[smem:$0x3FB6] =	sst s9;
	s0 =	simm.s32 @!p0 $0x0  }
0x12: {  	s1 =	sld [smem:$0x3F9C];
	s0 =	simm.s32 @p0 $0x1  }
0x13: {  	[smem:$0x3FB7] =	sst s0;
	s0 =	simm.s32 @!p1 $0x0  }
0x14: {  	s2 =	sld [smem:$0x3F9B];
	s0 =	simm.s32 @p1 $0x1  }
0x15: {  	[smem:$0x3FB8] =	sst s0;
	s0 =	simm.s32 @!p2 $0x0  }
0x16: {  	s3 =	sld [smem:$0x3FDB];
	s0 =	simm.s32 @p2 $0x1  }
0x17: {  	s4 =	simm.s32 $0x1BF5;
	[smem:$0x3FBA] =	sst s0  }
0x18: {  	s0 =	sld [smem:$0x3F9D];
	_ =	swait.ge [sflag:s4], $0x0  }
0x19: {  	s7 =	sld [smem:$0x3F9E]  }
0x1a: {  	s8 =	sadd.s32 $0xFFFFE003, lr  }
0x1b: {  	s9 =	sadd.s32 $0xFFFFFEF7, lr;
	s5 =	simm.s32 $0xFFFFFFFF;
	p2 =	slt.u32 s8, $0xFFFFF086  }
0x1c: {  	p1 =	slt.u32 s9, $0xF7A;
	s5 =	simm.s32 @!p2 $0x0  }
0x1d: {  	s5 =	simm.s32 @p1 $0x1;
	p0 =	seq.s32 s7, s2  }
0x1e: {  	s7 =	smul.u32 @!p0 $0xF7A, s2;
	p2 =	seq.s32 @!p0 s5, $0x0  }
0x1f: {  	s9 =	smul.u32 $0xF7A, s1;
	s8 =	simm.s32 @!p0 $0x1BF5;
	p2 =	por !p2, p0  }
0x20: {  	[sflag:s8] =	ssyncset.s32 @!p0 $0xFFFFF086;
	s6 =	sadd.s32 @!p0 s3, s7;
	s7 =	simm.s32 @!p0 $0x108  }
0x21: {  	s3 =	sadd.s32 s3, s9;
	s6 =	sadd.s32 @!p0 $0x88, s6;
	s7 =	simm.s32 @p2 $0x1082  }
0x22: {  	[simem:s7], [sflag:s8] =	dma.local @!p0 [hbm:s6], $0xF7A  }
0x23: {  	s9 =	sor.u32 $0xD0000000, s2;
	s6 =	simm.s32 $0x108;
	_ =	swait.ge @!p0 [sflag:s8], $0x0  }
0x24: {  	s3 =	sadd.s32 $0x88, s3;
	s6 =	simm.s32 @!p1 $0x1082;
	[sflag:s4] =	ssyncset.s32 $0xFFFFF086  }
0x25: {  	[simem:s6], [sflag:s4] =	dma.local [hbm:s3], $0xF7A  }
0x26: {  	[smem:$0x3F9E] =	sst s1;
	(tag) =	ssettag s2;
	_ =	strace s9  }
0x27: {  	s1 =	sld [smem:$0x3FAE]  }
0x28: {  	s2 =	sld [smem:$0x3FAF]  }
0x29: {  	s4 =	sld [smem:$0x3FB1]  }
0x2a: {  	p0 =	seq.s32 s5, $0x0;
	s5 =	sld [smem:$0x3FB2]  }
0x2b: {  	s6 =	sld [smem:$0x3FB3]  }
0x2c: {  	s7 =	sld [smem:$0x3FB4]  }
0x2d: {  	s3 =	simm.s32 $0x108;
	s8 =	sld [smem:$0x3FB5]  }
0x2e: {  	s3 =	simm.s32 @!p0 $0x1082;
	s9 =	sld [smem:$0x3FB6]  }
0x2f: {  	lr =	sadd.s32 s0, s3;
	s0 =	sld [smem:$0x3FAD]  }
0x30: {  	s3 =	sld [smem:$0x3FB0]  }
0x31: {  	[smem:$0x3FB9] =	sst s10  }
0x32: {  	s10 =	sld [smem:$0x3FB7];
	_ =	sdelay $0x3  }
0x33: {  	p0 =	seq.s32 s10, $0x1;
	s10 =	sld [smem:$0x3FB9];
	_ =	sdelay $0x3  }
0x34: {  	[smem:$0x3FB9] =	sst s10  }
0x35: {  	s10 =	sld [smem:$0x3FB8];
	_ =	sdelay $0x3  }
0x36: {  	p1 =	seq.s32 s10, $0x1;
	s10 =	sld [smem:$0x3FB9];
	_ =	sdelay $0x3  }
0x37: {  	[smem:$0x3FB9] =	sst s10  }
0x38: {  	s10 =	sld [smem:$0x3FBA]  }
0x39: {  	_ = 	snop;
	(pc) =	sbr.ind lr, $3  }
0x3a: {  	_ = 	snop  }
0x3b: {  	_ = 	snop  }
0x3c: {  	p2 =	seq.s32 s10, $0x1;
	s10 =	sld [smem:$0x3FB9]  }
0x3d: {  	_ =	shalt  }
0x3e: {  	_ =	shalt  }
0x3f: {  	_ =	shalt  }
0x40: {  	_ =	shalt  }
0x41: {  	_ =	shalt  }
0x42: {  	_ =	shalt  }
0x43: {  	_ =	shalt  }
0x44: {  	_ =	shalt  }
0x45: {  	_ =	shalt  }
0x46: {  	_ =	shalt  }
0x47: {  	_ =	shalt  }
0x48: {  	_ =	shalt  }
0x49: {  	_ =	shalt  }
0x4a: {  	_ =	shalt  }
0x4b: {  	_ =	shalt  }
0x4c: {  	_ =	shalt  }
0x4d: {  	_ =	shalt  }
0x4e: {  	_ =	shalt  }
0x4f: {  	_ =	shalt  }
0x50: {  	_ =	shalt  }
0x51: {  	_ =	shalt  }
0x52: {  	_ =	shalt  }
0x53: {  	_ =	shalt  }
0x54: {  	_ =	shalt  }
0x55: {  	_ =	shalt  }
0x56: {  	_ =	shalt  }
0x57: {  	_ =	shalt  }
0x58: {  	_ =	shalt  }
0x59: {  	_ =	shalt  }
0x5a: {  	_ =	shalt  }
0x5b: {  	_ =	shalt  }
0x5c: {  	_ =	shalt  }
0x5d: {  	_ =	shalt  }
0x5e: {  	_ =	shalt  }
0x5f: {  	_ =	shalt  }
0x60: {  	_ =	shalt  }
0x61: {  	_ =	shalt  }
0x62: {  	_ =	shalt  }
0x63: {  	_ =	shalt  }
0x64: {  	_ =	shalt  }
0x65: {  	_ =	shalt  }
0x66: {  	_ =	shalt  }
0x67: {  	_ =	shalt  }
0x68: {  	_ =	shalt  }
0x69: {  	_ =	shalt  }
0x6a: {  	_ =	shalt  }
0x6b: {  	_ =	shalt  }
0x6c: {  	_ =	shalt  }
0x6d: {  	_ =	shalt  }
0x6e: {  	_ =	shalt  }
0x6f: {  	_ =	shalt  }
0x70: {  	_ =	shalt  }
0x71: {  	_ =	shalt  }
0x72: {  	_ =	shalt  }
0x73: {  	_ =	shalt  }
0x74: {  	_ =	shalt  }
0x75: {  	_ =	shalt  }
0x76: {  	_ =	shalt  }
0x77: {  	_ =	shalt  }
0x78: {  	_ =	shalt  }
0x79: {  	_ =	shalt  }
0x7a: {  	_ =	shalt  }
0x7b: {  	_ =	shalt  }
0x7c: {  	_ =	shalt  }
0x7d: {  	_ =	shalt  }
0x7e: {  	_ =	shalt  }
0x7f: {  	_ =	shalt  }
0x80: {  	_ =	shalt  }
0x81: {  	_ =	shalt  }
0x82: {  	_ =	shalt  }
0x83: {  	_ =	shalt  }
0x84: {  	_ =	shalt  }
0x85: {  	_ =	shalt  }
0x86: {  	_ =	shalt  }
0x87: {  	_ =	shalt  }
.Lfunc_end0:
.L_simem_size_0:
called_computation_lowered:
.L_overlay_start_0:
0x88: {  	s2 =	sld [smem:$0x3FD9]  }
0x89: {  	s3 =	sld [smem:$0x3FFE];
	_ =	sdelay $0x1  }
0x8a: {  	s1 =	srdreg.scid  }
0x8b: {  	s0 =	sand.u32 $0x1, s1  }
0x8c: {  	s17 =	sshll.u32 s0, $0xA;
	s2 =	sadd.s32 s3, s2  }
0x8d: {  	s2 =	sadd.s32 s2, s17  }
0x8e: {  	[smem:$0x3FC5] =	sst s2  }
0x8f: {  	_ = 	snop  }
0x90: {  	s2 =	sld [smem:$0x3FC8]  }
0x91: {  	s18 =	sld [smem:$0x3FC7];
	(tm) =	ssettm $0x1  }
0x92: {  	s4 =	sld [smem:$0x3FFB];
	_ =	sdelay $0x3  }
0x93: {  	_ =	strace s4  }
0x94: {  	s4 =	sld [smem:$0x3FFC];
	_ =	sdelay $0x3  }
0x95: {  	_ =	strace s4  }
0x96: {  	s4 =	sld [smem:$0x3FFD];
	_ =	sdelay $0x3  }
0x97: {  	_ =	strace s4  }
0x98: {  	_ =	strace $0x8FFFFFFF  }
0x99: {  	s19 =	sld [smem:$0x3FDB];
	_ =	sdelay $0x1  }
0x9a: {  	s5 =	simm.s32 $_scs_section_size  }
0x9b: {  	s6 =	simm.s32 $_size__tile_overlayer_lowered;
	s7 =	simm.s32 $_tile_overlayer_lowered  }
0x9c: {  	s22 =	simm.s32 $0x1BFF;
	s21 =	sshll.u32 s7, $0x1;
	s4 =	sadd.s32 s5, s19  }
0x9d: {  	s8 =	simm.s32 $0x0;
	s20 =	sshll.u32 s6, $0x1;
	s6 =	sadd.s32 s21, s4  }
0x9e: {  	[timem:s8], [sflag:s22] =	dma.local [hbm:s6], s20  }
0x9f: {  	_ =	swait.ge [sflag:s22], s20  }
0xa0: {  	s5 =	ssub.s32 $0x0, s20;
	[sflag:s22] =	ssyncset.done $0x0  }
0xa1: {  	[sflag:s22] =	ssyncadd.s32 s5;
	_ =	sdelay $0x1  }
0xa2: {  	s23 =	simm.s32 $0x1B8B  }
0xa3: {  	_ =	swait.ge [sflag:s23], $0x1  }
0xa4: {  	[sflag:s23] =	ssyncset.done $0x0  }
0xa5: {  	s25 =	simm.s32 $0x1B8E;
	s24 =	sld [smem:$0x3FFE];
	[sflag:s23] =	ssyncadd.s32 $0xFFFFFFFF  }
0xa6: {  	s26 =	simm.s32 $execute0_lowered;
	[smem:$0x3FD2] =	sst s25  }
0xa7: {  	s6 =	sshll.u32 s26, $0x1;
	_ =	strace $0x80000046;
	[dreg:$0x1] =	wrdreg $0xFFFFFFFF  }
0xa8: {  	s28 =	simm.s32 $_size_execute0_lowered;
	s4 =	sadd.s32 s4, s6;
	[dreg:$0x0] =	wrdreg $0x0  }
0xa9: {  	s6 =	sshll.u32 s28, $0x1;
	[dreg:$0x2] =	wrdreg s4  }
0xaa: {  	[dreg:$0x3] =	wrdreg s6  }
0xab: {  	[dreg:$0x4] =	wrdreg $0xC0  }
0xac: {  	_ =	task [dreg:s8], $0x5FFFF  }
0xad: {  	[dreg:$0x1] =	wrdreg $0xFFFFFFFF  }
0xae: {  	[dreg:$0x0] =	wrdreg $0x60  }
0xaf: {  	[dreg:$0x2] =	wrdreg s2  }
0xb0: {  	[dreg:$0x3] =	wrdreg s18  }
0xb1: {  	[dreg:$0x4] =	wrdreg s24  }
0xb2: {  	[dreg:$0x5] =	wrdreg $0x0  }
0xb3: {  	[dreg:$0x6] =	wrdreg $0x9  }
0xb4: {  	_ =	task.clear_ibuf [dreg:s8], $0x7FFFF;
	_ =	strace $0x90000046  }
0xb5: {  	s29 =	simm.s32 $0x9;
	_ =	strace $0x80000048  }
0xb6: {  	_ =	swait.ge [sflag:s29], $0x1  }
0xb7: {  	[sflag:s29] =	ssyncadd.s32 $0xFFFFFFFF  }
0xb8: {  	_ =	strace $0x90000048  }
0xb9: {  	_ =	sfence  }
0xba: {  	s30 =	sld [smem:$0x0];
	_ =	sdelay $0x2  }
0xbb: {  	s31 =	sshll.u32 s1, $0xD;
	s1 =	sshrl.u32 s1, $0x2  }
0xbc: {  	s3 =	sand.u32 $0x4000, s31;
	s1 =	sadd.s32 s1, s30  }
0xbd: {  	s0 =	sor.u32 s3, s0;
	s1 =	sshll.u32 s1, $0x11  }
0xbe: {  	s0 =	sor.u32 s1, s0  }
0xbf: {  	s0 =	sadd.s32 $0x8F2B, s0  }
0xc0: {  	[sflag:s0] =	ssyncadd.remote.s32 $0x1  }
0xc1: {  	_ =	sfence.sel $0xFFFF  }
0xc2: {  	[dreg:$0x0] =	wrdreg $0xFFFFFFFF;
	(pc) =	sbr.abs _section_cstart, $3  }
0xc3: {  	[dreg:$0x1] =	wrdreg $0xFFFFFFFF  }
0xc4: {  	_ =	task.clear_ibuf [dreg:s8], $0x2FFFF;
	_ =	strace $0x9FFFFFFF  }
0xc5: {  	(tm) =	ssettm $0x7FFFFFFF  }
tec
execute0_lowered:
.L_overlay_start_1:
0x0: {  	(tag) =	ssettag $0x1  }
0x1: {  	s1 =	rddreg [dreg:$0x0]  }
0x2: {  	s2 =	rddreg [dreg:$0x1]  }
0x3: {  	s0 =	rddreg [dreg:$0x2]  }
0x4: {  	s3 =	srdreg.scid;
	s5 =	stileid.u32  }
0x5: {  	s4 =	rddreg [dreg:$0x3];
	s6 =	smul.u32 $0x13880, s5  }
0x6: {  	s8 =	simm.s32 $0x0;
	s28 =	simm.s32 $0xC80;
	s29 =	simm.s32 $0x15180  }
0x7: {  	s30 =	simm.s32 $0x18380;
	[smem:$0x7FF] =	sst s8;
	s15 =	sadd.s32 s6, s4  }
0x8: {  	_ =	strace $0x80000047;
	s11 =	sadd.s32 $0xC80, s15;
	[dreg:$0x5] =	wrdreg s15  }
0x9: {  	s31 =	simm.s32 $0x2;
	s12 =	sadd.s32 $0x1900, s15;
	[dreg:$0x6] =	wrdreg s11  }
0xa: {  	s3 =	sand.u32 $0x1, s3;
	s13 =	sadd.s32 $0x2580, s15;
	[dreg:$0x7] =	wrdreg s12  }
0xb: {  	s7 =	smul.u32 $0x138800, s3;
	s14 =	sadd.s32 $0x3200, s15;
	[dreg:$0x8] =	wrdreg s13  }
0xc: {  	s9 =	ssub.s32 $0x2, s3;
	s16 =	sadd.s32 $0x3E80, s15;
	[dreg:$0x9] =	wrdreg s14  }
0xd: {  	s3 =	sshll.u32 s3, $0x4;
	s17 =	sadd.s32 $0x4B00, s15;
	[dreg:$0xa] =	wrdreg s16  }
0xe: {  	s10 =	sshrl.u32 s9, $0x1;
	s18 =	sadd.s32 $0x5780, s15;
	[dreg:$0xb] =	wrdreg s17  }
0xf: {  	s3 =	sor.u32 s5, s3;
	s19 =	sadd.s32 $0x6400, s15;
	[dreg:$0xc] =	wrdreg s18  }
0x10: {  	s7 =	sadd.s32 s6, s7;
	s21 =	sadd.s32 $0x7080, s15;
	[dreg:$0xd] =	wrdreg s19  }
0x11: {  	s3 =	smul.u32 $0x138800, s3;
	s8 =	sadd.s32 $0x8980, s15;
	[dreg:$0xe] =	wrdreg s21  }
0x12: {  	s7 =	sshrl.u32 s7, $0x3;
	[dreg:$0x16] =	wrdreg s8;
	s11 =	sadd.s32 $0xAF00, s15  }
0x13: {  	s12 =	sadd.s32 $0xBB80, s15;
	s13 =	sadd.s32 $0xC800, s15;
	[dreg:$0x19] =	wrdreg s11  }
0x14: {  	s14 =	sadd.s32 $0xD480, s15;
	s16 =	sadd.s32 $0xE100, s15;
	[dreg:$0x1a] =	wrdreg s12  }
0x15: {  	s17 =	sadd.s32 $0xED80, s15;
	s18 =	sadd.s32 $0xFA00, s15;
	[dreg:$0x1b] =	wrdreg s13  }
0x16: {  	s19 =	sadd.s32 $0x10680, s15;
	s8 =	simm.s32 $0x3;
	[dreg:$0x1c] =	wrdreg s14  }
0x17: {  	s0 =	sadd.s32 s7, s0;
	s7 =	ssub.s32 s9, s10;
	[dreg:$0x1d] =	wrdreg s16  }
0x18: {  	s20 =	sshrl.u32 s3, $0x3;
	s21 =	sadd.s32 $0x2580, s3;
	[dreg:$0x1e] =	wrdreg s17  }
0x19: {  	s9 =	sadd.s32 $0x9600, s15;
	s10 =	sadd.s32 $0xA280, s15;
	[dreg:$0x1f] =	wrdreg s18  }
0x1a: {  	[smem:$0x7FA] =	sst s19;
	s16 =	simm.s32 $0xD;
	s19 =	simm.s32 $0x14500  }
0x1b: {  	s11 =	simm.s32 $0x4;
	s12 =	simm.s32 $0x8;
	s13 =	simm.s32 $0xA  }
0x1c: {  	s22 =	sadd.s32 s1, s20;
	s23 =	sadd.s32 $0x190, s20;
	[dreg:$0x17] =	wrdreg s9  }
0x1d: {  	s24 =	sadd.s32 s2, s20;
	s20 =	sadd.s32 $0x1900, s3;
	[dreg:$0x18] =	wrdreg s10  }
0x1e: {  	s0 =	sadd.s32 $0x800, s0;
	s6 =	smax.u32 s7, $0x1;
	[dreg:$0xf] =	wrdreg s22  }
0x1f: {  	s7 =	sadd.s32 $0x7D00, s15;
	s9 =	simm.s32 $0x7;
	[dreg:$0x10] =	wrdreg s24  }
0x20: {  	s10 =	simm.s32 $0x9;
	s25 =	sadd.s32 s1, s23;
	[dreg:$0x13] =	wrdreg s0  }
0x21: {  	s26 =	sadd.s32 s2, s23;
	s22 =	sadd.s32 $0x3200, s3;
	[dreg:$0x14] =	wrdreg s6  }
0x22: {  	s23 =	sadd.s32 $0x3E80, s3;
	[dreg:$0x15] =	wrdreg s7;
	s24 =	sadd.s32 $0x11300, s15  }
.Ltmp0:
0x23: {  	s3 =	simm.s32 $0x6;
	[dreg:$0x11] =	wrdreg s25;
	(pc) =	sbr.rel .LBB2_1-.Ltmp0, $4  }
0x24: {  	v0 =	vlaneseq.u32;
	s0 =	simm.s32 $0x15E00;
	s7 =	simm.s32 $0x19000;
	[dreg:$0x12] =	wrdreg s26  }
0x25: {  	v1 =	vimm.f32 $0.0e+00;
	v2 =	vor.u32 $0x10, v0;
	s6 =	simm.s32 $0x0;
	[smem:$0x7FB] =	sst s24;
	s25 =	sadd.s32 $0x11F80, s15  }
0x26: {  	v3 =	vor.u32 $0x20, v0;
	v4 =	vor.u32 $0x30, v0;
	v5 =	vor.u32 $0x40, v0;
	s26 =	sadd.s32 $0x12C00, s15;
	s24 =	simm.s32 $0x17700;
	[smem:$0x7FC] =	sst s25  }
0x27: {  	v6 =	vor.u32 $0x50, v0;
	v7 =	vor.u32 $0x60, v0;
	v8 =	vor.u32 $0x70, v0;
	[smem:$0x7FD] =	sst s26;
	s25 =	simm.s32 $0x1;
	s26 =	simm.s32 $0x5  }
.LBB2_14:
0x28: {  	s5 =	simm.s32 $0xB  }
0x29: {  	_ =	swait.ge [sflag:s5], $0xC80  }
0x2a: {  	[sflag:s5] =	ssyncset.done $0x0  }
0x2b: {  	s14 =	simm.s32 $0xC;
	[sflag:s5] =	ssyncadd.s32 $0xFFFFF380  }
0x2c: {  	_ =	swait.ge [sflag:s14], $0xC80  }
0x2d: {  	[sflag:s14] =	ssyncset.done $0x0  }
0x2e: {  	[sflag:s14] =	ssyncadd.s32 $0xFFFFF380  }
0x2f: {  	s15 =	stileid.u32;
	[bflag:$0x0] =	sbarrier.arrive $0xFFFF  }
0x30: {  	s5 =	sshll.u32 s15, $0x6;
	s15 =	rddreg [dreg:$0x5]  }
0x31: {  	s5 =	sor.u32 $0x1C0D, s5;
	s14 =	rddreg [dreg:$0x13];
	s6 =	sshrl.u32 s15, $0x3  }
0x32: {  	[hbm:s14], [sflag:s5] =	dma.local [spmem:s6], $0x2710  }
0x33: {  	_ =	swait.ge [sflag:s16], $0x2710  }
0x34: {  	s17 =	sld [smem:$0x7F9];
	_ =	sdelay $0x2  }
0x35: {  	s18 =	rddreg [dreg:$0x14];
	s6 =	sadd.s32 $0x1, s17  }
0x36: {  	p0 =	sne.s32 s6, s18  }
.Ltmp1:
0x37: {  	_ = 	snop;
	(pc) =	sbr.rel @!p0 .LBB2_15-.Ltmp1, $3  }
0x38: {  	_ =	sdelay $0x1  }
0x39: {  	[sflag:s16] =	ssyncset.done $0x0  }
0x3a: {  	[sflag:s16] =	ssyncadd.s32 $0xFFFFD8F0  }
.LBB2_1:
0x3b: {  	[smem:$0x7F9] =	sst s6;
	s6 =	simm.s32 $0x19CC0  }
0x3c: {  	[tilespmem:s6+$0xFFFFFFC0] =	vst v1  }
0x3d: {  	[tilespmem:s6+$0x30] =	vst v1  }
0x3e: {  	[tilespmem:s6+$0x20] =	vst v1  }
0x3f: {  	[tilespmem:s6+$0x10] =	vst v1  }
0x40: {  	[tilespmem:s6+$0x0] =	vst v1  }
0x41: {  	[tilespmem:s6+$0xFFFFFFF0] =	vst v1  }
0x42: {  	s14 =	simm.s32 $0x0;
	[tilespmem:s6+$0xFFFFFFE0] =	vst v1  }
.LBB2_2:
0x43: {  	s14 =	sadd.s32 $0x8, s14;
	[tilespmem:s6+$0xFFFFFFD0] =	vst v1;
	s6 =	sadd.s32 $0x80, s6  }
0x44: {  	[tilespmem:s6+$0xFFFFFFC0] =	vst v1;
	p0 =	slt.u32 s14, $0xC0  }
0x45: {  	[tilespmem:s6+$0x30] =	vst v1  }
.Ltmp2:
0x46: {  	[tilespmem:s6+$0x20] =	vst v1;
	(pc) =	sbr.rel @p0 .LBB2_2-.Ltmp2, $4  }
0x47: {  	[tilespmem:s6+$0x10] =	vst v1  }
0x48: {  	[tilespmem:s6+$0x0] =	vst v1  }
0x49: {  	[tilespmem:s6+$0xFFFFFFF0] =	vst v1  }
0x4a: {  	[tilespmem:s6+$0xFFFFFFE0] =	vst v1  }
0x4b: {  	[tilespmem:s6+$0xFFFFFFD0] =	vst v1;
	s6 =	simm.s32 $0x19C80;
	s5 =	rddreg [dreg:$0x6]  }
0x4c: {  	[spmem:s15] =	stream.linear.scatter [tilespmem:s6], [sflag:$0xD], $0xC80, $0x38;
	[tilespmem:$0x1A900] =	vst v63  }
0x4d: {  	s14 =	rddreg [dreg:$0x7]  }
0x4e: {  	[spmem:s5] =	stream.linear.scatter [tilespmem:s6], [sflag:$0xD], $0xC80, $0x38;
	[tilespmem:$0x1A900] =	vst v63  }
0x4f: {  	s17 =	rddreg [dreg:$0x9]  }
0x50: {  	[spmem:s14] =	stream.linear.scatter [tilespmem:s6], [sflag:$0xD], $0xC80, $0x38;
	[tilespmem:$0x1A900] =	vst v63  }
0x51: {  	s15 =	rddreg [dreg:$0x8]  }
0x52: {  	[spmem:s15] =	stream.linear.scatter [tilespmem:s6], [sflag:$0xD], $0xC80, $0x38;
	[tilespmem:$0x1A900] =	vst v63  }
0x53: {  	s18 =	rddreg [dreg:$0xa]  }
0x54: {  	[spmem:s17] =	stream.linear.scatter [tilespmem:s6], [sflag:$0xD], $0xC80, $0x38;
	[tilespmem:$0x1A900] =	vst v63  }
0x55: {  	s14 =	rddreg [dreg:$0xb]  }
0x56: {  	[spmem:s18] =	stream.linear.scatter [tilespmem:s6], [sflag:$0xD], $0xC80, $0x38;
	[tilespmem:$0x1A900] =	vst v63  }
0x57: {  	s15 =	rddreg [dreg:$0xc]  }
0x58: {  	[spmem:s14] =	stream.linear.scatter [tilespmem:s6], [sflag:$0xD], $0xC80, $0x38;
	[tilespmem:$0x1A900] =	vst v63  }
0x59: {  	s17 =	rddreg [dreg:$0xd]  }
0x5a: {  	[spmem:s15] =	stream.linear.scatter [tilespmem:s6], [sflag:$0xD], $0xC80, $0x38;
	[tilespmem:$0x1A900] =	vst v63  }
0x5b: {  	s18 =	rddreg [dreg:$0xe]  }
0x5c: {  	[spmem:s17] =	stream.linear.scatter [tilespmem:s6], [sflag:$0xD], $0xC80, $0x38;
	[tilespmem:$0x1A900] =	vst v63  }
0x5d: {  	s14 =	rddreg [dreg:$0x15]  }
0x5e: {  	[spmem:s18] =	stream.linear.scatter [tilespmem:s6], [sflag:$0xD], $0xC80, $0x38;
	[tilespmem:$0x1A900] =	vst v63  }
0x5f: {  	s15 =	rddreg [dreg:$0x16]  }
0x60: {  	[spmem:s14] =	stream.linear.scatter [tilespmem:s6], [sflag:$0xD], $0xC80, $0x38;
	[tilespmem:$0x1A900] =	vst v63  }
0x61: {  	s17 =	rddreg [dreg:$0x17]  }
0x62: {  	[spmem:s15] =	stream.linear.scatter [tilespmem:s6], [sflag:$0xD], $0xC80, $0x38;
	[tilespmem:$0x1A900] =	vst v63  }
0x63: {  	s18 =	rddreg [dreg:$0x18]  }
0x64: {  	[spmem:s17] =	stream.linear.scatter [tilespmem:s6], [sflag:$0xD], $0xC80, $0x38;
	[tilespmem:$0x1A900] =	vst v63  }
0x65: {  	s14 =	rddreg [dreg:$0x19]  }
0x66: {  	[spmem:s18] =	stream.linear.scatter [tilespmem:s6], [sflag:$0xD], $0xC80, $0x38;
	[tilespmem:$0x1A900] =	vst v63  }
0x67: {  	s15 =	rddreg [dreg:$0x1a]  }
0x68: {  	[spmem:s14] =	stream.linear.scatter [tilespmem:s6], [sflag:$0xD], $0xC80, $0x38;
	[tilespmem:$0x1A900] =	vst v63  }
0x69: {  	s17 =	rddreg [dreg:$0x1b]  }
0x6a: {  	[spmem:s15] =	stream.linear.scatter [tilespmem:s6], [sflag:$0xD], $0xC80, $0x38;
	[tilespmem:$0x1A900] =	vst v63  }
0x6b: {  	s18 =	rddreg [dreg:$0x1c]  }
0x6c: {  	[spmem:s17] =	stream.linear.scatter [tilespmem:s6], [sflag:$0xD], $0xC80, $0x38;
	[tilespmem:$0x1A900] =	vst v63  }
0x6d: {  	s14 =	rddreg [dreg:$0x1d]  }
0x6e: {  	[spmem:s18] =	stream.linear.scatter [tilespmem:s6], [sflag:$0xD], $0xC80, $0x38;
	[tilespmem:$0x1A900] =	vst v63  }
0x6f: {  	s15 =	rddreg [dreg:$0x1e]  }
0x70: {  	[spmem:s14] =	stream.linear.scatter [tilespmem:s6], [sflag:$0xD], $0xC80, $0x38;
	[tilespmem:$0x1A900] =	vst v63  }
0x71: {  	s17 =	rddreg [dreg:$0x1f]  }
0x72: {  	[spmem:s15] =	stream.linear.scatter [tilespmem:s6], [sflag:$0xD], $0xC80, $0x38;
	[tilespmem:$0x1A900] =	vst v63  }
0x73: {  	s18 =	sld [smem:$0x7FA]  }
0x74: {  	[spmem:s17] =	stream.linear.scatter [tilespmem:s6], [sflag:$0xD], $0xC80, $0x38;
	[tilespmem:$0x1A900] =	vst v63  }
0x75: {  	s14 =	sld [smem:$0x7FB]  }
0x76: {  	[spmem:s18] =	stream.linear.scatter [tilespmem:s6], [sflag:$0xD], $0xC80, $0x38;
	[tilespmem:$0x1A900] =	vst v63  }
0x77: {  	s15 =	sld [smem:$0x7FC]  }
0x78: {  	[spmem:s14] =	stream.linear.scatter [tilespmem:s6], [sflag:$0xD], $0xC80, $0x38;
	[tilespmem:$0x1A900] =	vst v63  }
0x79: {  	s17 =	sld [smem:$0x7FD]  }
0x7a: {  	[spmem:s15] =	stream.linear.scatter [tilespmem:s6], [sflag:$0xD], $0xC80, $0x38;
	[tilespmem:$0x1A900] =	vst v63  }
0x7b: {  	_ = 	snop  }
0x7c: {  	[spmem:s17] =	stream.linear.scatter [tilespmem:s6], [sflag:$0xD], $0xC80, $0x38;
	[tilespmem:$0x1A900] =	vst v63  }
0x7d: {  	_ =	swait.ge [sflag:s16], $0xC80  }
0x7e: {  	[sflag:s16] =	ssyncset.done $0x0  }
0x7f: {  	[sflag:s16] =	ssyncadd.s32 $0xFFFFF380  }
0x80: {  	_ =	swait.ge [sflag:s16], $0xC80  }
0x81: {  	[sflag:s16] =	ssyncset.done $0x0  }
0x82: {  	[sflag:s16] =	ssyncadd.s32 $0xFFFFF380  }
0x83: {  	_ =	swait.ge [sflag:s16], $0xC80  }
0x84: {  	[sflag:s16] =	ssyncset.done $0x0  }
0x85: {  	[sflag:s16] =	ssyncadd.s32 $0xFFFFF380  }
0x86: {  	_ =	swait.ge [sflag:s16], $0xC80  }
0x87: {  	[sflag:s16] =	ssyncset.done $0x0  }
0x88: {  	[sflag:s16] =	ssyncadd.s32 $0xFFFFF380  }
0x89: {  	_ =	swait.ge [sflag:s16], $0xC80  }
0x8a: {  	[sflag:s16] =	ssyncset.done $0x0  }
0x8b: {  	[sflag:s16] =	ssyncadd.s32 $0xFFFFF380  }
0x8c: {  	_ =	swait.ge [sflag:s16], $0xC80  }
0x8d: {  	[sflag:s16] =	ssyncset.done $0x0  }
0x8e: {  	[sflag:s16] =	ssyncadd.s32 $0xFFFFF380  }
0x8f: {  	_ =	swait.ge [sflag:s16], $0xC80  }
0x90: {  	[sflag:s16] =	ssyncset.done $0x0  }
0x91: {  	[sflag:s16] =	ssyncadd.s32 $0xFFFFF380  }
0x92: {  	_ =	swait.ge [sflag:s16], $0xC80  }
0x93: {  	[sflag:s16] =	ssyncset.done $0x0  }
0x94: {  	[sflag:s16] =	ssyncadd.s32 $0xFFFFF380  }
0x95: {  	_ =	swait.ge [sflag:s16], $0xC80  }
0x96: {  	[sflag:s16] =	ssyncset.done $0x0  }
0x97: {  	[sflag:s16] =	ssyncadd.s32 $0xFFFFF380  }
0x98: {  	_ =	swait.ge [sflag:s16], $0xC80  }
0x99: {  	[sflag:s16] =	ssyncset.done $0x0  }
0x9a: {  	[sflag:s16] =	ssyncadd.s32 $0xFFFFF380  }
0x9b: {  	_ =	swait.ge [sflag:s16], $0xC80  }
0x9c: {  	[sflag:s16] =	ssyncset.done $0x0  }
0x9d: {  	[sflag:s16] =	ssyncadd.s32 $0xFFFFF380  }
0x9e: {  	_ =	swait.ge [sflag:s16], $0xC80  }
0x9f: {  	[sflag:s16] =	ssyncset.done $0x0  }
0xa0: {  	[sflag:s16] =	ssyncadd.s32 $0xFFFFF380  }
0xa1: {  	_ =	swait.ge [sflag:s16], $0xC80  }
0xa2: {  	[sflag:s16] =	ssyncset.done $0x0  }
0xa3: {  	[sflag:s16] =	ssyncadd.s32 $0xFFFFF380  }
0xa4: {  	_ =	swait.ge [sflag:s16], $0xC80  }
0xa5: {  	[sflag:s16] =	ssyncset.done $0x0  }
0xa6: {  	[sflag:s16] =	ssyncadd.s32 $0xFFFFF380  }
0xa7: {  	_ =	swait.ge [sflag:s16], $0xC80  }
0xa8: {  	[sflag:s16] =	ssyncset.done $0x0  }
0xa9: {  	[sflag:s16] =	ssyncadd.s32 $0xFFFFF380  }
0xaa: {  	_ =	swait.ge [sflag:s16], $0xC80  }
0xab: {  	[sflag:s16] =	ssyncset.done $0x0  }
0xac: {  	[sflag:s16] =	ssyncadd.s32 $0xFFFFF380  }
0xad: {  	_ =	swait.ge [sflag:s16], $0xC80  }
0xae: {  	[sflag:s16] =	ssyncset.done $0x0  }
0xaf: {  	[sflag:s16] =	ssyncadd.s32 $0xFFFFF380  }
0xb0: {  	_ =	swait.ge [sflag:s16], $0xC80  }
0xb1: {  	[sflag:s16] =	ssyncset.done $0x0  }
0xb2: {  	[sflag:s16] =	ssyncadd.s32 $0xFFFFF380  }
0xb3: {  	_ =	swait.ge [sflag:s16], $0xC80  }
0xb4: {  	[sflag:s16] =	ssyncset.done $0x0  }
0xb5: {  	[sflag:s16] =	ssyncadd.s32 $0xFFFFF380  }
0xb6: {  	_ =	swait.ge [sflag:s16], $0xC80  }
0xb7: {  	[sflag:s16] =	ssyncset.done $0x0  }
0xb8: {  	[sflag:s16] =	ssyncadd.s32 $0xFFFFF380  }
0xb9: {  	_ =	swait.ge [sflag:s16], $0xC80  }
0xba: {  	[sflag:s16] =	ssyncset.done $0x0  }
0xbb: {  	[sflag:s16] =	ssyncadd.s32 $0xFFFFF380  }
0xbc: {  	_ =	swait.ge [sflag:s16], $0xC80  }
0xbd: {  	[sflag:s16] =	ssyncset.done $0x0  }
0xbe: {  	[sflag:s16] =	ssyncadd.s32 $0xFFFFF380  }
0xbf: {  	_ =	swait.ge [sflag:s16], $0xC80  }
0xc0: {  	[sflag:s16] =	ssyncset.done $0x0  }
0xc1: {  	[sflag:s16] =	ssyncadd.s32 $0xFFFFF380  }
0xc2: {  	_ =	swait.ge [sflag:s16], $0xC80  }
0xc3: {  	[sflag:s16] =	ssyncset.done $0x0  }
0xc4: {  	[sflag:s16] =	ssyncadd.s32 $0xFFFFF380  }
0xc5: {  	_ =	swait.ge [sflag:s16], $0xC80  }
0xc6: {  	[sflag:s16] =	ssyncset.done $0x0  }
0xc7: {  	[sflag:s16] =	ssyncadd.s32 $0xFFFFF380  }
0xc8: {  	[bflag:$0x0] =	sbarrier.arrive $0xFFFF  }
0xc9: {  	s14 =	simm.s32 $0x13880;
	s6 =	simm.s32 $0x0;
	s18 =	rddreg [dreg:$0xf]  }
0xca: {  	[tilespmem:s14], [sflag:$0x1] =	stream.linear.gather [hbm4b:s18+s6], $0xC80, $0x38;
	[tilespmem:$0x1A900] =	vst v63  }
0xcb: {  	s15 =	simm.s32 $0x16A80;
	s14 =	rddreg [dreg:$0x10]  }
0xcc: {  	[tilespmem:s15], [sflag:$0x5] =	stream.linear.gather [hbm4b:s14+s6], $0xC80, $0x38;
	[tilespmem:$0x1A900] =	vst v63  }
0xcd: {  	s17 =	rddreg [dreg:$0x11]  }
0xce: {  	[tilespmem:s19], [sflag:$0x2] =	stream.linear.gather [hbm4b:s17+s6], $0xC80, $0x38;
	[tilespmem:$0x1A900] =	vst v63  }
0xcf: {  	s18 =	rddreg [dreg:$0x12]  }
0xd0: {  	[tilespmem:s24], [sflag:$0x6] =	stream.linear.gather [hbm4b:s18+s6], $0xC80, $0x38;
	[tilespmem:$0x1A900] =	vst v63  }
.LBB2_4:
0xd1: {  	_ =	swait.ge [sflag:s25], $0xC80  }
0xd2: {  	[sflag:s25] =	ssyncset.done $0x0  }
0xd3: {  	[sflag:s25] =	ssyncadd.s32 $0xFFFFF380  }
0xd4: {  	_ =	swait.ge [sflag:s26], $0xC80  }
0xd5: {  	[sflag:s26] =	ssyncset.done $0x0  }
0xd6: {  	s14 =	simm.s32 $0x0;
	[sflag:s26] =	ssyncadd.s32 $0xFFFFF380  }
0xd7: {  	v10 =	vld [tilespmem:s14+$0x13880]  }
0xd8: {  	v11 =	vld [tilespmem:s14+$0x13890]  }
0xd9: {  	v13 =	vld [tilespmem:s14+$0x138A0]  }
0xda: {  	v12 =	vld [tilespmem:s14+$0x138B0]  }
0xdb: {  	v9 =	vld [tilespmem:s14+$0x138C0]  }
0xdc: {  	v14 =	vshll.u32 v10, $0x7;
	v10 =	vld [tilespmem:s14+$0x138D0]  }
0xdd: {  	s15 =	simm.s32 $0x200;
	v15 =	vshll.u32 v11, $0x7;
	v11 =	vld [tilespmem:s14+$0x138E0];
	v14 =	vor.u32 v0, v14  }
.LBB2_5:
0xde: {  	s17 =	sshra.s32 s15, $0x2;
	p0 =	sne.s32 s15, $0x3000;
	[tilespmem:s14+$0x13880] =	vst v14;
	v14 =	vor.u32 v2, v15;
	v13 =	vshll.u32 v13, $0x7;
	v15 =	vld [tilespmem:s14+$0x138F0]  }
0xdf: {  	v16 =	vld [tilespmem:s17+$0x13880];
	[tilespmem:s14+$0x13890] =	vst v14;
	v13 =	vor.u32 v3, v13;
	v12 =	vshll.u32 v12, $0x7  }
0xe0: {  	v17 =	vld [tilespmem:s17+$0x13890];
	[tilespmem:s14+$0x138A0] =	vst v13;
	v12 =	vor.u32 v4, v12;
	v9 =	vshll.u32 v9, $0x7  }
.Ltmp3:
0xe1: {  	v13 =	vld [tilespmem:s17+$0x138A0];
	[tilespmem:s14+$0x138B0] =	vst v12;
	v9 =	vor.u32 v5, v9;
	v10 =	vshll.u32 v10, $0x7;
	(pc) =	sbr.rel @p0 .LBB2_5-.Ltmp3, $4  }
0xe2: {  	v12 =	vld [tilespmem:s17+$0x138B0];
	[tilespmem:s14+$0x138C0] =	vst v9;
	v10 =	vor.u32 v6, v10;
	v11 =	vshll.u32 v11, $0x7  }
0xe3: {  	v9 =	vld [tilespmem:s17+$0x138C0];
	[tilespmem:s14+$0x138D0] =	vst v10;
	v11 =	vor.u32 v7, v11;
	v14 =	vshll.u32 v15, $0x7  }
0xe4: {  	v15 =	vshll.u32 v16, $0x7;
	v10 =	vld [tilespmem:s17+$0x138D0];
	[tilespmem:s14+$0x138E0] =	vst v11;
	v16 =	vor.u32 v8, v14  }
0xe5: {  	s15 =	sadd.s32 $0x200, s15;
	v14 =	vor.u32 v0, v15;
	v15 =	vshll.u32 v17, $0x7;
	v11 =	vld [tilespmem:s17+$0x138E0];
	[tilespmem:s14+$0x138F0] =	vst v16;
	s14 =	smov.u32 s17  }
0xe6: {  	[tilespmem:s14+$0x13880] =	vst v14;
	v14 =	vor.u32 v2, v15;
	v13 =	vshll.u32 v13, $0x7;
	v15 =	vld [tilespmem:s14+$0x138F0]  }
0xe7: {  	[tilespmem:s14+$0x13890] =	vst v14;
	v13 =	vor.u32 v3, v13;
	v12 =	vshll.u32 v12, $0x7  }
0xe8: {  	[tilespmem:s14+$0x138A0] =	vst v13;
	v12 =	vor.u32 v4, v12;
	v9 =	vshll.u32 v9, $0x7  }
0xe9: {  	[tilespmem:s14+$0x138B0] =	vst v12;
	v9 =	vor.u32 v5, v9;
	v10 =	vshll.u32 v10, $0x7  }
0xea: {  	[tilespmem:s14+$0x138C0] =	vst v9;
	v9 =	vor.u32 v6, v10;
	v10 =	vshll.u32 v11, $0x7  }
0xeb: {  	[tilespmem:s14+$0x138D0] =	vst v9;
	v9 =	vor.u32 v7, v10;
	v10 =	vshll.u32 v15, $0x7  }
0xec: {  	s5 =	simm.s32 $0x13880;
	p0 =	seq.s32 s6, $0x0;
	[tilespmem:s14+$0x138E0] =	vst v9;
	v9 =	vor.u32 v8, v10  }
0xed: {  	s18 =	simm.s32 $0x16A80;
	s15 =	simm.s32 @!p0 $0xB;
	[tilespmem:s14+$0x138F0] =	vst v9;
	s14 =	smul.u32 $0x3200, s6  }
0xee: {  	[spmem:s4] =	stream.indirect.scatter.add.f32 [tilespmem:s18], [sflag:$0x9], $0x1, s5, s28, $0xb8;
	[tilespmem:$0x1A900] =	vst v63  }
0xef: {  	_ =	swait.ge @!p0 [sflag:s15], $0xC80;
	s17 =	sadd.s32 s14, s20  }
0xf0: {  	[sflag:s15] =	ssyncset.done @!p0 $0x0;
	s17 =	sshrl.u32 s17, $0x3  }
0xf1: {  	s18 =	simm.s32 $0x0;
	[sflag:s15] =	ssyncadd.s32 @!p0 $0xFFFFF380;
	s5 =	sadd.s32 s1, s17  }
0xf2: {  	[tilespmem:s29], [sflag:$0x3] =	stream.linear.gather [hbm4b:s5+s18], $0xC80, $0x38;
	[tilespmem:$0x1A900] =	vst v63  }
0xf3: {  	s17 =	sadd.s32 s2, s17  }
0xf4: {  	[tilespmem:s30], [sflag:$0x7] =	stream.linear.gather [hbm4b:s17+s18], $0xC80, $0x38;
	[tilespmem:$0x1A900] =	vst v63  }
0xf5: {  	_ =	swait.ge [sflag:s31], $0xC80  }
0xf6: {  	[sflag:s31] =	ssyncset.done $0x0  }
0xf7: {  	[sflag:s31] =	ssyncadd.s32 $0xFFFFF380  }
0xf8: {  	_ =	swait.ge [sflag:s3], $0xC80  }
0xf9: {  	[sflag:s3] =	ssyncset.done $0x0  }
0xfa: {  	s15 =	simm.s32 $0x0;
	[sflag:s3] =	ssyncadd.s32 $0xFFFFF380  }
0xfb: {  	v10 =	vld [tilespmem:s15+$0x14500]  }
0xfc: {  	v11 =	vld [tilespmem:s15+$0x14510]  }
0xfd: {  	v13 =	vld [tilespmem:s15+$0x14520]  }
0xfe: {  	v12 =	vld [tilespmem:s15+$0x14530]  }
0xff: {  	v9 =	vld [tilespmem:s15+$0x14540]  }
0x100: {  	v14 =	vshll.u32 v10, $0x7;
	v10 =	vld [tilespmem:s15+$0x14550]  }
0x101: {  	s17 =	simm.s32 $0x200;
	v15 =	vshll.u32 v11, $0x7;
	v11 =	vld [tilespmem:s15+$0x14560];
	v14 =	vor.u32 v0, v14  }
.LBB2_7:
0x102: {  	s18 =	sshra.s32 s17, $0x2;
	p1 =	sne.s32 s17, $0x3000;
	[tilespmem:s15+$0x14500] =	vst v14;
	v14 =	vor.u32 v2, v15;
	v13 =	vshll.u32 v13, $0x7;
	v15 =	vld [tilespmem:s15+$0x14570]  }
0x103: {  	v16 =	vld [tilespmem:s18+$0x14500];
	[tilespmem:s15+$0x14510] =	vst v14;
	v13 =	vor.u32 v3, v13;
	v12 =	vshll.u32 v12, $0x7  }
0x104: {  	v17 =	vld [tilespmem:s18+$0x14510];
	[tilespmem:s15+$0x14520] =	vst v13;
	v12 =	vor.u32 v4, v12;
	v9 =	vshll.u32 v9, $0x7  }
.Ltmp4:
0x105: {  	v13 =	vld [tilespmem:s18+$0x14520];
	[tilespmem:s15+$0x14530] =	vst v12;
	v9 =	vor.u32 v5, v9;
	v10 =	vshll.u32 v10, $0x7;
	(pc) =	sbr.rel @p1 .LBB2_7-.Ltmp4, $4  }
0x106: {  	v12 =	vld [tilespmem:s18+$0x14530];
	[tilespmem:s15+$0x14540] =	vst v9;
	v10 =	vor.u32 v6, v10;
	v11 =	vshll.u32 v11, $0x7  }
0x107: {  	v9 =	vld [tilespmem:s18+$0x14540];
	[tilespmem:s15+$0x14550] =	vst v10;
	v11 =	vor.u32 v7, v11;
	v14 =	vshll.u32 v15, $0x7  }
0x108: {  	v15 =	vshll.u32 v16, $0x7;
	v10 =	vld [tilespmem:s18+$0x14550];
	[tilespmem:s15+$0x14560] =	vst v11;
	v16 =	vor.u32 v8, v14  }
0x109: {  	s17 =	sadd.s32 $0x200, s17;
	v14 =	vor.u32 v0, v15;
	v15 =	vshll.u32 v17, $0x7;
	v11 =	vld [tilespmem:s18+$0x14560];
	[tilespmem:s15+$0x14570] =	vst v16;
	s15 =	smov.u32 s18  }
0x10a: {  	[tilespmem:s15+$0x14500] =	vst v14;
	v14 =	vor.u32 v2, v15;
	v13 =	vshll.u32 v13, $0x7;
	v15 =	vld [tilespmem:s15+$0x14570]  }
0x10b: {  	[tilespmem:s15+$0x14510] =	vst v14;
	v13 =	vor.u32 v3, v13;
	v12 =	vshll.u32 v12, $0x7  }
0x10c: {  	[tilespmem:s15+$0x14520] =	vst v13;
	v12 =	vor.u32 v4, v12;
	v9 =	vshll.u32 v9, $0x7  }
0x10d: {  	[tilespmem:s15+$0x14530] =	vst v12;
	v9 =	vor.u32 v5, v9;
	v10 =	vshll.u32 v10, $0x7  }
0x10e: {  	[tilespmem:s15+$0x14540] =	vst v9;
	v9 =	vor.u32 v6, v10;
	v10 =	vshll.u32 v11, $0x7  }
0x10f: {  	[tilespmem:s15+$0x14550] =	vst v9;
	v9 =	vor.u32 v7, v10;
	v10 =	vshll.u32 v15, $0x7  }
0x110: {  	[tilespmem:s15+$0x14560] =	vst v9;
	v9 =	vor.u32 v8, v10  }
0x111: {  	[tilespmem:s15+$0x14570] =	vst v9;
	s15 =	simm.s32 @!p0 $0xC  }
0x112: {  	[spmem:s4] =	stream.indirect.scatter.add.f32 [tilespmem:s24], [sflag:$0xA], $0x1, s19, s28, $0xb8;
	[tilespmem:$0x1A900] =	vst v63  }
0x113: {  	s17 =	sadd.s32 s14, s21;
	_ =	swait.ge @!p0 [sflag:s15], $0xC80  }
0x114: {  	s17 =	sshrl.u32 s17, $0x3;
	[sflag:s15] =	ssyncset.done @!p0 $0x0  }
0x115: {  	s18 =	simm.s32 $0x0;
	s5 =	sadd.s32 s1, s17;
	[sflag:s15] =	ssyncadd.s32 @!p0 $0xFFFFF380  }
0x116: {  	[tilespmem:s0], [sflag:$0x4] =	stream.linear.gather [hbm4b:s5+s18], $0xC80, $0x38;
	[tilespmem:$0x1A900] =	vst v63  }
0x117: {  	s17 =	sadd.s32 s2, s17  }
0x118: {  	[tilespmem:s7], [sflag:$0x8] =	stream.linear.gather [hbm4b:s17+s18], $0xC80, $0x38;
	[tilespmem:$0x1A900] =	vst v63  }
0x119: {  	_ =	swait.ge [sflag:s8], $0xC80  }
0x11a: {  	[sflag:s8] =	ssyncset.done $0x0  }
0x11b: {  	[sflag:s8] =	ssyncadd.s32 $0xFFFFF380  }
0x11c: {  	_ =	swait.ge [sflag:s9], $0xC80  }
0x11d: {  	[sflag:s9] =	ssyncset.done $0x0  }
0x11e: {  	s15 =	simm.s32 $0x0;
	[sflag:s9] =	ssyncadd.s32 $0xFFFFF380  }
0x11f: {  	v10 =	vld [tilespmem:s15+$0x15180]  }
0x120: {  	v11 =	vld [tilespmem:s15+$0x15190]  }
0x121: {  	v13 =	vld [tilespmem:s15+$0x151A0]  }
0x122: {  	v12 =	vld [tilespmem:s15+$0x151B0]  }
0x123: {  	v9 =	vld [tilespmem:s15+$0x151C0]  }
0x124: {  	v14 =	vshll.u32 v10, $0x7;
	v10 =	vld [tilespmem:s15+$0x151D0]  }
0x125: {  	s17 =	simm.s32 $0x200;
	v15 =	vshll.u32 v11, $0x7;
	v11 =	vld [tilespmem:s15+$0x151E0];
	v14 =	vor.u32 v0, v14  }
.LBB2_9:
0x126: {  	s18 =	sshra.s32 s17, $0x2;
	p0 =	sne.s32 s17, $0x3000;
	[tilespmem:s15+$0x15180] =	vst v14;
	v14 =	vor.u32 v2, v15;
	v13 =	vshll.u32 v13, $0x7;
	v15 =	vld [tilespmem:s15+$0x151F0]  }
0x127: {  	v16 =	vld [tilespmem:s18+$0x15180];
	[tilespmem:s15+$0x15190] =	vst v14;
	v13 =	vor.u32 v3, v13;
	v12 =	vshll.u32 v12, $0x7  }
0x128: {  	v17 =	vld [tilespmem:s18+$0x15190];
	[tilespmem:s15+$0x151A0] =	vst v13;
	v12 =	vor.u32 v4, v12;
	v9 =	vshll.u32 v9, $0x7  }
.Ltmp5:
0x129: {  	v13 =	vld [tilespmem:s18+$0x151A0];
	[tilespmem:s15+$0x151B0] =	vst v12;
	v9 =	vor.u32 v5, v9;
	v10 =	vshll.u32 v10, $0x7;
	(pc) =	sbr.rel @p0 .LBB2_9-.Ltmp5, $4  }
0x12a: {  	v12 =	vld [tilespmem:s18+$0x151B0];
	[tilespmem:s15+$0x151C0] =	vst v9;
	v10 =	vor.u32 v6, v10;
	v11 =	vshll.u32 v11, $0x7  }
0x12b: {  	v9 =	vld [tilespmem:s18+$0x151C0];
	[tilespmem:s15+$0x151D0] =	vst v10;
	v11 =	vor.u32 v7, v11;
	v14 =	vshll.u32 v15, $0x7  }
0x12c: {  	v15 =	vshll.u32 v16, $0x7;
	v10 =	vld [tilespmem:s18+$0x151D0];
	[tilespmem:s15+$0x151E0] =	vst v11;
	v16 =	vor.u32 v8, v14  }
0x12d: {  	s17 =	sadd.s32 $0x200, s17;
	v14 =	vor.u32 v0, v15;
	v15 =	vshll.u32 v17, $0x7;
	v11 =	vld [tilespmem:s18+$0x151E0];
	[tilespmem:s15+$0x151F0] =	vst v16;
	s15 =	smov.u32 s18  }
0x12e: {  	[tilespmem:s15+$0x15180] =	vst v14;
	v14 =	vor.u32 v2, v15;
	v13 =	vshll.u32 v13, $0x7;
	v15 =	vld [tilespmem:s15+$0x151F0]  }
0x12f: {  	[tilespmem:s15+$0x15190] =	vst v14;
	v13 =	vor.u32 v3, v13;
	v12 =	vshll.u32 v12, $0x7  }
0x130: {  	[tilespmem:s15+$0x151A0] =	vst v13;
	v12 =	vor.u32 v4, v12;
	v9 =	vshll.u32 v9, $0x7  }
0x131: {  	[tilespmem:s15+$0x151B0] =	vst v12;
	v9 =	vor.u32 v5, v9;
	v10 =	vshll.u32 v10, $0x7  }
0x132: {  	[tilespmem:s15+$0x151C0] =	vst v9;
	v9 =	vor.u32 v6, v10;
	v10 =	vshll.u32 v11, $0x7  }
0x133: {  	[tilespmem:s15+$0x151D0] =	vst v9;
	v9 =	vor.u32 v7, v10;
	v10 =	vshll.u32 v15, $0x7  }
0x134: {  	[tilespmem:s15+$0x151E0] =	vst v9;
	v9 =	vor.u32 v8, v10  }
0x135: {  	p0 =	seq.s32 s6, $0x63;
	[tilespmem:s15+$0x151F0] =	vst v9  }
0x136: {  	[spmem:s4] =	stream.indirect.scatter.add.f32 [tilespmem:s30], [sflag:$0xB], $0x1, s29, s28, $0xb8;
	[tilespmem:$0x1A900] =	vst v63  }
0x137: {  	s15 =	sadd.s32 @!p0 s14, s22;
	_ =	swait.ge [sflag:s10], $0xC80  }
0x138: {  	s18 =	simm.s32 @!p0 $0x0;
	s15 =	sshrl.u32 @!p0 s15, $0x3;
	[sflag:s10] =	ssyncset.done $0x0  }
0x139: {  	s5 =	simm.s32 @!p0 $0x13880;
	s17 =	sadd.s32 @!p0 s1, s15;
	[sflag:s10] =	ssyncadd.s32 $0xFFFFF380  }
0x13a: {  	[tilespmem:s5], [sflag:$0x1] =	stream.linear.gather @!p0 [hbm4b:s17+s18], $0xC80, $0x38;
	[tilespmem:$0x1A900] =	vst v63  }
0x13b: {  	s5 =	sadd.s32 @!p0 s2, s15;
	s15 =	simm.s32 @!p0 $0x16A80  }
0x13c: {  	[tilespmem:s15], [sflag:$0x5] =	stream.linear.gather @!p0 [hbm4b:s5+s18], $0xC80, $0x38;
	[tilespmem:$0x1A900] =	vst v63  }
0x13d: {  	_ =	swait.ge [sflag:s11], $0xC80  }
0x13e: {  	[sflag:s11] =	ssyncset.done $0x0  }
0x13f: {  	[sflag:s11] =	ssyncadd.s32 $0xFFFFF380  }
0x140: {  	_ =	swait.ge [sflag:s12], $0xC80  }
0x141: {  	[sflag:s12] =	ssyncset.done $0x0  }
0x142: {  	s15 =	simm.s32 $0x0;
	[sflag:s12] =	ssyncadd.s32 $0xFFFFF380  }
0x143: {  	v10 =	vld [tilespmem:s15+$0x15E00]  }
0x144: {  	v11 =	vld [tilespmem:s15+$0x15E10]  }
0x145: {  	v13 =	vld [tilespmem:s15+$0x15E20]  }
0x146: {  	v12 =	vld [tilespmem:s15+$0x15E30]  }
0x147: {  	v9 =	vld [tilespmem:s15+$0x15E40]  }
0x148: {  	v14 =	vshll.u32 v10, $0x7;
	v10 =	vld [tilespmem:s15+$0x15E50]  }
0x149: {  	s17 =	simm.s32 $0x200;
	v15 =	vshll.u32 v11, $0x7;
	v11 =	vld [tilespmem:s15+$0x15E60];
	v14 =	vor.u32 v0, v14  }
.LBB2_11:
0x14a: {  	s5 =	sshra.s32 s17, $0x2;
	p1 =	sne.s32 s17, $0x3000;
	[tilespmem:s15+$0x15E00] =	vst v14;
	v14 =	vor.u32 v2, v15;
	v13 =	vshll.u32 v13, $0x7;
	v15 =	vld [tilespmem:s15+$0x15E70]  }
0x14b: {  	v16 =	vld [tilespmem:s5+$0x15E00];
	[tilespmem:s15+$0x15E10] =	vst v14;
	v13 =	vor.u32 v3, v13;
	v12 =	vshll.u32 v12, $0x7  }
0x14c: {  	v17 =	vld [tilespmem:s5+$0x15E10];
	[tilespmem:s15+$0x15E20] =	vst v13;
	v12 =	vor.u32 v4, v12;
	v9 =	vshll.u32 v9, $0x7  }
.Ltmp6:
0x14d: {  	v13 =	vld [tilespmem:s5+$0x15E20];
	[tilespmem:s15+$0x15E30] =	vst v12;
	v9 =	vor.u32 v5, v9;
	v10 =	vshll.u32 v10, $0x7;
	(pc) =	sbr.rel @p1 .LBB2_11-.Ltmp6, $4  }
0x14e: {  	v12 =	vld [tilespmem:s5+$0x15E30];
	[tilespmem:s15+$0x15E40] =	vst v9;
	v10 =	vor.u32 v6, v10;
	v11 =	vshll.u32 v11, $0x7  }
0x14f: {  	v9 =	vld [tilespmem:s5+$0x15E40];
	[tilespmem:s15+$0x15E50] =	vst v10;
	v11 =	vor.u32 v7, v11;
	v14 =	vshll.u32 v15, $0x7  }
0x150: {  	v15 =	vshll.u32 v16, $0x7;
	v10 =	vld [tilespmem:s5+$0x15E50];
	[tilespmem:s15+$0x15E60] =	vst v11;
	v16 =	vor.u32 v8, v14  }
0x151: {  	s17 =	sadd.s32 $0x200, s17;
	v14 =	vor.u32 v0, v15;
	v15 =	vshll.u32 v17, $0x7;
	v11 =	vld [tilespmem:s5+$0x15E60];
	[tilespmem:s15+$0x15E70] =	vst v16;
	s15 =	smov.u32 s5  }
0x152: {  	[tilespmem:s15+$0x15E00] =	vst v14;
	v62 =	vor.u32 v2, v15;
	v13 =	vshll.u32 v13, $0x7;
	v63 =	vld [tilespmem:s15+$0x15E70]  }
0x153: {  	[tilespmem:s15+$0x15E10] =	vst v62;
	v13 =	vor.u32 v3, v13;
	v12 =	vshll.u32 v12, $0x7  }
0x154: {  	[tilespmem:s15+$0x15E20] =	vst v13;
	v12 =	vor.u32 v4, v12;
	v9 =	vshll.u32 v9, $0x7  }
0x155: {  	[tilespmem:s15+$0x15E30] =	vst v12;
	v9 =	vor.u32 v5, v9;
	v10 =	vshll.u32 v10, $0x7  }
0x156: {  	[tilespmem:s15+$0x15E40] =	vst v9;
	v9 =	vor.u32 v6, v10;
	v10 =	vshll.u32 v11, $0x7  }
0x157: {  	[tilespmem:s15+$0x15E50] =	vst v9;
	v9 =	vor.u32 v7, v10;
	v10 =	vshll.u32 v63, $0x7  }
0x158: {  	[tilespmem:s15+$0x15E60] =	vst v9;
	v9 =	vor.u32 v8, v10  }
.Ltmp7:
0x159: {  	[tilespmem:s15+$0x15E70] =	vst v9;
	(pc) =	sbr.rel @p0 .LBB2_14-.Ltmp7, $4  }
0x15a: {  	[spmem:s4] =	stream.indirect.scatter.add.f32 [tilespmem:s7], [sflag:$0xC], $0x1, s0, s28, $0xb8;
	[tilespmem:$0x1A900] =	vst v63  }
0x15b: {  	_ =	swait.ge [sflag:s13], $0xC80  }
0x15c: {  	[sflag:s13] =	ssyncset.done $0x0  }
0x15d: {  	[sflag:s13] =	ssyncadd.s32 $0xFFFFF380  }
0x15e: {  	s5 =	sadd.s32 s14, s23  }
.Ltmp8:
0x15f: {  	s5 =	sshrl.u32 s5, $0x3;
	(pc) =	sbr.rel .LBB2_4-.Ltmp8, $4  }
0x160: {  	s15 =	simm.s32 $0x0;
	s18 =	sadd.s32 s1, s5  }
0x161: {  	[tilespmem:s19], [sflag:$0x2] =	stream.linear.gather [hbm4b:s18+s15], $0xC80, $0x38;
	[tilespmem:$0x1A900] =	vst v63  }
0x162: {  	s6 =	sadd.s32 $0x1, s6;
	s5 =	sadd.s32 s2, s5  }
0x163: {  	[tilespmem:s24], [sflag:$0x6] =	stream.linear.gather [hbm4b:s5+s15], $0xC80, $0x38;
	[tilespmem:$0x1A900] =	vst v63  }
.LBB2_15:
0x164: {  	_ =	sfence.sel $0x180000  }
0x165: {  	[bflag:$0x0] =	sbarrier.arrive $0xFFFF  }
0x166: {  	_ =	strace $0x90000047  }
0x167: {  	s0 =	stileid.u32;
	[bflag:$0x2] =	sbarrier.arrive $0xFFFF  }
0x168: {  	p0 =	sne.s32 s0, $0x0;
	s0 =	rddreg [dreg:$0x4]  }
0x169: {  	s0 =	sadd.s32 @!p0 $0x100000, s0  }
0x16a: {  	[sflag:s0] =	ssyncadd.tile.s32 @!p0 $0x1;
	_ =	shalt  }
.Lfunc_end2:
_tile_overlayer_lowered:
.L_overlay_start_2:
0x16b: {  	(tag) =	ssettag $0x2  }
0x16c: {  	s0 =	rddreg [dreg:$0x0];
	s2 =	stileid.u32  }
0x16d: {  	s1 =	rddreg [dreg:$0x1];
	p0 =	sne.s32 s2, $0x0  }
0x16e: {  	s3 =	rddreg [dreg:$0x2];
	[bflag:$0x3] =	sbarrier.arrive $0xFFFF;
	s2 =	simm.s32 @!p0 $0x1C0E  }
0x16f: {  	[timem:s3], [sflag:s2] =	dma.local @!p0 [hbm:s0], s1  }
0x170: {  	s0 =	simm.s32 @!p0 $0xE  }
0x171: {  	_ =	swait.ge @!p0 [sflag:s0], s1  }
0x172: {  	s1 =	ssub.s32 @!p0 $0x0, s1;
	[sflag:s0] =	ssyncset.done @!p0 $0x0  }
0x173: {  	[sflag:s0] =	ssyncadd.s32 @!p0 s1  }
0x174: {  	[bflag:$0x3] =	sbarrier.arrive $0xFFFF  }
0x175: {  	_ =	shalt  }

</sc_bundles>
